<compile_context>
chip_gen: v7x
topology: tpu7x:2x2x1
jax: 0.10.2.dev20260603
libtpu: 0.0.44.dev20260713+nightly
codegen_flags: <defaults>
</compile_context>

<pallas_src>
import functools

import jax
import jax.numpy as jnp
from jax import lax
from jax.experimental import pallas as pl
from jax.experimental.pallas import tpu as pltpu
from jax.experimental.pallas import tpu_sc as plsc

_LAYER_W = 12500
_HID = 128

_NC, _NS = 2, 16
_NW = _NC * _NS
_CH, _CHW = 7, 128
_PAD_E = _NW * _CH * _CHW
_TBL_PAD = 12544

_ROWS = 1792
_BF = jnp.bfloat16


def _mm(x, w):
    return lax.dot_general(
        x, w, (((1,), (1,)), ((), ())),
        preferred_element_type=jnp.float32).astype(_BF)


def _resnet(x, w1, b1, w2, b2, w3, b3):
    h1 = jnp.tanh(_mm(x, w1) + b1)
    h2 = jnp.tanh(_mm(h1, w2) + b2)
    return _mm(h2 + x, w3) + b3


def _embed_body(x_ref, w_ref, b_ref, o_ref):
    o_ref[...] = jnp.tanh(_mm(x_ref[...].astype(_BF), w_ref[...]) + b_ref[...])


def _embed(node_feats, w, b):
    n = node_feats.shape[0]
    return pl.pallas_call(
        _embed_body,
        grid=(pl.cdiv(n, _ROWS),),
        in_specs=[
            pl.BlockSpec((_ROWS, _HID), lambda i: (i, 0)),
            pl.BlockSpec((_HID, _HID), lambda i: (0, 0)),
            pl.BlockSpec((1, _HID), lambda i: (0, 0)),
        ],
        out_specs=pl.BlockSpec((_ROWS, _HID), lambda i: (i, 0)),
        out_shape=jax.ShapeDtypeStruct((n, _HID), _BF),
    )(node_feats, w, b.reshape(1, _HID))


def _layer_compute(msgs, ope, w):
    r = jnp.tanh(_resnet(msgs, *w[0:6]))
    r = jnp.tanh(_resnet(r, *w[6:12]))
    w1b, b1, w2, b2, w3a, w3b, b3 = w[12:19]
    h1 = jnp.tanh(_mm(r, w1b) + b1)
    h2 = jnp.tanh(_mm(h1, w2) + b2)
    e = jnp.tanh(_mm(h2[:, :_HID], w3a) + _mm(h2[:, _HID:] + r, w3b) + b3)
    e = jnp.tanh(_resnet(e, *w[19:25]))
    w1a, w1b, b1, w2, b2, w3a, w3b, b3 = w[25:33]
    h1 = jnp.tanh(_mm(e, w1a) + _mm(ope, w1b) + b1)
    h2 = jnp.tanh(_mm(h1, w2) + b2)
    c = jnp.tanh(_mm(h2[:, :_HID] + e, w3a) + _mm(h2[:, _HID:] + ope, w3b) + b3)
    return jnp.tanh(_resnet(c, *w[33:39]))


def _layer_body(msgs_ref, ope_ref, *refs):
    o32_ref = refs[-1]
    w = [r[...] for r in refs[:-1]]
    out = _layer_compute(msgs_ref[...].astype(_BF), ope_ref[...], w)
    o32_ref[...] = out.astype(jnp.float32)


def _wb(p, lay):
    w = p[lay]["W"].astype(_BF)
    b = p[lay]["b"].astype(_BF).reshape(1, -1)
    return w, b


def _layer_weights(packs):
    mp, mp1, ne, ne1, cb, cb1 = packs
    vals = []
    for p in (mp, mp1):
        for lay in ("lay1", "lay2", "lay3"):
            vals.extend(_wb(p, lay))
    w1, b1 = _wb(ne, "lay1")
    w2, b2 = _wb(ne, "lay2")
    w3, b3 = _wb(ne, "lay3")
    vals.extend([w1[:, _HID:], b1, w2, b2, w3[:, :_HID], w3[:, _HID:], b3])
    for lay in ("lay1", "lay2", "lay3"):
        vals.extend(_wb(ne1, lay))
    w1, b1 = _wb(cb, "lay1")
    w2, b2 = _wb(cb, "lay2")
    w3, b3 = _wb(cb, "lay3")
    vals.extend([w1[:, :_HID], w1[:, _HID:], b1, w2, b2,
                 w3[:, :_HID], w3[:, _HID:], b3])
    for lay in ("lay1", "lay2", "lay3"):
        vals.extend(_wb(cb1, lay))
    return vals


def _layer(msgs, ope, packs):
    wvals = _layer_weights(packs)
    wspecs = [pl.BlockSpec(v.shape, lambda i, n=v.ndim: (0,) * n)
              for v in wvals]
    return pl.pallas_call(
        _layer_body,
        grid=(pl.cdiv(_LAYER_W, _ROWS),),
        in_specs=[
            pl.BlockSpec((_ROWS, 2 * _HID), lambda i: (i, 0)),
            pl.BlockSpec((_ROWS, _HID), lambda i: (i, 0)),
        ] + wspecs,
        out_specs=pl.BlockSpec((_ROWS, _HID), lambda i: (i, 0)),
        out_shape=jax.ShapeDtypeStruct((_TBL_PAD, _HID), jnp.float32),
    )(msgs, ope, *wvals)


def _gather_body(table_hbm, idx_hbm, out_hbm, idx_v, rows_v, sem):
    cid = lax.axis_index("c")
    sid = lax.axis_index("s")
    pltpu.sync_copy(idx_hbm.at[cid, sid], idx_v)
    cps = [pltpu.async_copy(table_hbm.at[idx_v.at[j]],
                            rows_v.at[pl.ds(j * _CHW, _CHW)], sem)
           for j in range(_CH)]
    for c in cps:
        c.wait()
    pltpu.sync_copy(rows_v, out_hbm.at[cid, sid])


@functools.cache
def _gather_k():
    mesh = plsc.VectorSubcoreMesh(
        core_axis_name="c", subcore_axis_name="s",
        num_cores=_NC, num_subcores=_NS)
    return pl.kernel(
        _gather_body,
        out_type=jax.ShapeDtypeStruct(
            (_NC, _NS, _CH * _CHW, _HID), jnp.float32),
        mesh=mesh,
        scratch_types=[
            pltpu.VMEM((_CH, _CHW), jnp.int32),
            pltpu.VMEM((_CH * _CHW, _HID), jnp.float32),
            pltpu.SemaphoreType.DMA,
        ],
    )


def kernel(node_feats, params, src_idx):
    emb = params["embed_op"]
    ope = _embed(node_feats, emb["W"].astype(_BF),
                 emb["b"].astype(_BF))

    picks = [
        ("d1_mp_binary", "d1_node_embeds", "d1_comb_embed"),
        ("d2_mp_binary", "d2_node_embeds", "d2_comb_embed"),
        ("d2_mp_binary", "d3_node_embeds", "d2_comb_embed"),
    ]
    prev = jnp.pad(ope[:_LAYER_W].astype(jnp.float32),
                   ((0, _TBL_PAD - _LAYER_W), (0, 0)))
    outs = [prev[:_LAYER_W]]
    for layer in range(1, 4):
        mp, ne, cb = picks[layer - 1]
        loc = src_idx[(layer - 1) * _LAYER_W: layer * _LAYER_W]
        flat = loc.reshape(-1)
        flat = jnp.concatenate(
            [flat, jnp.zeros((_PAD_E - flat.shape[0],), jnp.int32)])
        idx4 = flat.reshape(_NC, _NS, _CH, _CHW)
        rows = _gather_k()(prev, idx4)
        msgs = rows.reshape(_PAD_E // 2, 2 * _HID)
        opeb = lax.slice_in_dim(ope, layer * _LAYER_W, (layer + 1) * _LAYER_W)
        packs = [params[mp], params[mp + "1"],
                 params[ne], params[ne + "1"],
                 params[cb], params[cb + "1"]]
        prev = _layer(msgs, opeb, packs)
        outs.append(prev[:_LAYER_W])
    return jnp.concatenate(outs, axis=0)

# --- scband reference (transcript-rebuilt; emitter-appended) ---
"""Pipeline reference for scband-fwd-mpgnn-64793876627814 (READ-ONLY COPY).

The authoritative reference and input builder live on the scoring server;
editing this copy changes nothing except your own understanding.
"""

import jax, jax.numpy as jnp
import numpy as np

N_NODES = 50000
N_LAYERS = 4
LAYER_W = 12500
FEAT = 128
HID = 128


def _lin_init(key, out_dim, in_dim):
    k1, k2 = jax.random.split(key)
    s = 1.0 / np.sqrt(in_dim)
    W = jax.random.uniform(k1, (out_dim, in_dim), minval=-s, maxval=s, dtype=jnp.float32)
    b = jax.random.uniform(k2, (out_dim,), minval=-s, maxval=s, dtype=jnp.float32)
    return {"W": W, "b": b}


def _resnet_init(key, in_dim, hidden_dim, out_dim):
    ks = jax.random.split(key, 3)
    return {
        "lay1": _lin_init(ks[0], hidden_dim, in_dim),
        "lay2": _lin_init(ks[1], hidden_dim, hidden_dim),
        "lay3": _lin_init(ks[2], out_dim, hidden_dim),
    }


def _resnet_apply(p, x):
    h1 = jnp.tanh(x @ p["lay1"]["W"].T + p["lay1"]["b"])
    h2 = jnp.tanh(h1 @ p["lay2"]["W"].T + p["lay2"]["b"])
    return (h2 + x) @ p["lay3"]["W"].T + p["lay3"]["b"]


def setup_inputs(seed: int = 0) -> dict:
    key = jax.random.key(seed)
    ks = list(jax.random.split(key, 20))
    node_feats = jax.random.normal(ks[0], (N_NODES, FEAT), dtype=jnp.float32)
    src_idx = jax.random.randint(ks[1], ((N_LAYERS - 1) * LAYER_W, 2), 0, LAYER_W, dtype=jnp.int32)
    H = HID
    params = {
        "embed_op": _lin_init(ks[2], H, FEAT),
        "d1_comb_embed": _resnet_init(ks[3], 2 * H, 2 * H, H),
        "d1_comb_embed1": _resnet_init(ks[4], H, H, H),
        "d2_comb_embed": _resnet_init(ks[5], 2 * H, 2 * H, H),
        "d2_comb_embed1": _resnet_init(ks[6], H, H, H),
        "d1_node_embeds": _resnet_init(ks[7], 2 * H, 2 * H, H),
        "d1_node_embeds1": _resnet_init(ks[8], H, H, H),
        "d2_node_embeds": _resnet_init(ks[9], 2 * H, 2 * H, H),
        "d2_node_embeds1": _resnet_init(ks[10], H, H, H),
        "d3_node_embeds": _resnet_init(ks[11], 2 * H, 2 * H, H),
        "d3_node_embeds1": _resnet_init(ks[12], H, H, H),
        "d1_mp_binary": _resnet_init(ks[13], 2 * H, 2 * H, H),
        "d1_mp_binary1": _resnet_init(ks[14], H, H, H),
        "d2_mp_binary": _resnet_init(ks[15], 2 * H, 2 * H, H),
        "d2_mp_binary1": _resnet_init(ks[16], H, H, H),
    }
    return {"node_feats": node_feats, "params": params, "src_idx": src_idx}


def _forward(node_feats, params, src_idx):
    act = jnp.tanh
    op_embeds = act(node_feats @ params["embed_op"]["W"].T + params["embed_op"]["b"])
    embeds = jnp.zeros((N_NODES, HID), dtype=node_feats.dtype)
    # frontier 0 (leaves, no in-edges): apply_func only -> embeds = op_embeds
    embeds = embeds.at[:LAYER_W].set(op_embeds[:LAYER_W])
    for layer in range(1, N_LAYERS):
        depth = min(layer - 1, 2)
        off = layer * LAYER_W
        loc = src_idx[(layer - 1) * LAYER_W: layer * LAYER_W]
        src_g = (layer - 1) * LAYER_W + loc
        # message gather (edge.src fwd_node_embeds) -> binary mailbox concat
        msgs = jnp.take(embeds, src_g.reshape(-1), axis=0).reshape(LAYER_W, 2 * HID)
        if depth == 0:
            mp, mp1 = params["d1_mp_binary"], params["d1_mp_binary1"]
        else:
            # original code's else-branch reuses d2_mp_binary for depth >= 2
            mp, mp1 = params["d2_mp_binary"], params["d2_mp_binary1"]
        redux = act(_resnet_apply(mp, msgs))
        redux = act(_resnet_apply(mp1, redux))
        # apply_func: fwd_node_embeds column exists (zero-initialized DGL frame for unprocessed nodes)
        prev = jnp.zeros((LAYER_W, HID), dtype=node_feats.dtype)
        concat = jnp.concatenate([prev, redux], axis=-1)
        ne_names = ["d1_node_embeds", "d2_node_embeds", "d3_node_embeds"]
        ne, ne1 = params[ne_names[depth]], params[ne_names[depth] + "1"]
        e = act(_resnet_apply(ne, concat))
        e = act(_resnet_apply(ne1, e))
        if depth == 0:
            cb, cb1 = params["d1_comb_embed"], params["d1_comb_embed1"]
        else:
            # original code's else-branch reuses d2_comb_embed for depth >= 2
            cb, cb1 = params["d2_comb_embed"], params["d2_comb_embed1"]
        e = act(_resnet_apply(cb, jnp.concatenate([e, op_embeds[off:off + LAYER_W]], axis=-1)))
        e = act(_resnet_apply(cb1, e))
        embeds = embeds.at[off:off + LAYER_W].set(e)
    return embeds


def reference(node_feats, params, src_idx):
    return _forward(node_feats, params, src_idx)

if __name__ == "__main__":
    import jax
    _d = setup_inputs()
    print(jax.jit(kernel)(*tuple(_d.values())))

</pallas_src>

<mosaic_0001>
#map = affine_map<(d0, d1) -> (0, 0)>
#map1 = affine_map<(d0, d1) -> (0, 0, 0, 0)>
module attributes {stable_mosaic.version = 14 : i64} {
  func.func @_gather_body(%arg0: i32, %arg1: i32, %arg2: memref<12544x128xf32, #tpu.memory_space<hbm>>, %arg3: memref<2x16x7x128xi32, #tpu.memory_space<hbm>>, %arg4: memref<2x16x896x128xf32, #tpu.memory_space<hbm>>, %arg5: memref<7x128xi32, #tpu.memory_space<vmem>>, %arg6: memref<896x128xf32, #tpu.memory_space<vmem>>, %arg7: memref<!tpu.dma_semaphore, #tpu.memory_space<semaphore_mem>>) attributes {dimension_semantics = [#tpu.dimension_semantics<core_parallel>, #tpu.dimension_semantics<subcore_parallel>], iteration_bounds = array<i64: 2, 16>, scalar_prefetch = 0 : i64, scratch_operands = 3 : i64, tpu.core_type = #tpu.core_type<sc_vector_subcore>, window_params = [{transform_indices = #map}, {transform_indices = #map1}, {transform_indices = #map1}]} {
    "tpu.region"() ({
      %run_scoped3A = tpu.sem_alloc : memref<!tpu.dma_semaphore, #tpu.memory_space<semaphore_mem>>
      %dma_start3A_138 = arith.constant 0 : i32
      %dma_start3A_139 = arith.constant 0 : i32
      %dma_start3A_140 = tpu.memref_slice %arg3[%arg0, %arg1, %dma_start3A_138, %dma_start3A_139] : memref<2x16x7x128xi32, #tpu.memory_space<hbm>> -> memref<1x1x7x128xi32, #tpu.memory_space<hbm>>
      %dma_start3A_141 = tpu.memref_squeeze %dma_start3A_140 : memref<1x1x7x128xi32, #tpu.memory_space<hbm>> -> memref<7x128xi32, #tpu.memory_space<hbm>>
      %dma_start3A_142 = arith.constant 0 : i32
      %dma_start3A_143 = arith.constant 0 : i32
      %dma_start3A_144 = tpu.memref_slice %arg3[%arg0, %arg1, %dma_start3A_142, %dma_start3A_143] : memref<2x16x7x128xi32, #tpu.memory_space<hbm>> -> memref<1x1x7x128xi32, #tpu.memory_space<hbm>>
      %dma_start3A_145 = tpu.memref_squeeze %dma_start3A_144 : memref<1x1x7x128xi32, #tpu.memory_space<hbm>> -> memref<7x128xi32, #tpu.memory_space<hbm>>
      tpu.enqueue_dma source(%dma_start3A_145 : memref<7x128xi32, #tpu.memory_space<hbm>>) target(%arg5 : memref<7x128xi32, #tpu.memory_space<vmem>>) target_semaphore(%run_scoped3A : memref<!tpu.dma_semaphore, #tpu.memory_space<semaphore_mem>>)
      %dma_wait3A_146 = arith.constant 0 : i32
      %dma_wait3A_147 = arith.constant 0 : i32
      %dma_wait3A_148 = tpu.memref_slice %arg3[%arg0, %arg1, %dma_wait3A_146, %dma_wait3A_147] : memref<2x16x7x128xi32, #tpu.memory_space<hbm>> -> memref<1x1x7x128xi32, #tpu.memory_space<hbm>>
      %dma_wait3A_149 = tpu.memref_squeeze %dma_wait3A_148 : memref<1x1x7x128xi32, #tpu.memory_space<hbm>> -> memref<7x128xi32, #tpu.memory_space<hbm>>
      %dma_wait3A_150 = arith.constant 0 : i32
      %dma_wait3A_151 = arith.constant 0 : i32
      %dma_wait3A_152 = tpu.memref_slice %arg3[%arg0, %arg1, %dma_wait3A_150, %dma_wait3A_151] : memref<2x16x7x128xi32, #tpu.memory_space<hbm>> -> memref<1x1x7x128xi32, #tpu.memory_space<hbm>>
      %dma_wait3A_153 = tpu.memref_squeeze %dma_wait3A_152 : memref<1x1x7x128xi32, #tpu.memory_space<hbm>> -> memref<7x128xi32, #tpu.memory_space<hbm>>
      tpu.wait_dma2 semaphore(%run_scoped3A : memref<!tpu.dma_semaphore, #tpu.memory_space<semaphore_mem>>) src(%dma_wait3A_153 : memref<7x128xi32, #tpu.memory_space<hbm>>) dst(%arg5 : memref<7x128xi32, #tpu.memory_space<vmem>>)
      tpu.yield
    }) : () -> ()
    %dma_start3A = arith.constant 0 : i32
    %dma_start3A_0 = arith.constant 0 : i32
    %dma_start3A_1 = arith.constant 0 : i32
    %dma_start3A_2 = tpu.memref_slice %arg6[%dma_start3A_0, %dma_start3A_1] : memref<896x128xf32, #tpu.memory_space<vmem>> -> memref<128x128xf32, #tpu.memory_space<vmem>>
    %dma_start3A_3 = arith.constant 0 : i32
    %dma_start3A_4 = tpu.memref_slice %arg5[%dma_start3A, %dma_start3A_3] : memref<7x128xi32, #tpu.memory_space<vmem>> -> memref<1x128xi32, #tpu.memory_space<vmem>>
    %dma_start3A_5 = tpu.memref_squeeze %dma_start3A_4 : memref<1x128xi32, #tpu.memory_space<vmem>> -> memref<128xi32, #tpu.memory_space<vmem>>
    %dma_start3A_6 = arith.constant 0 : i32
    %dma_start3A_7 = arith.constant 0 : i32
    %dma_start3A_8 = tpu.memref_slice %arg2[%dma_start3A_6, %dma_start3A_7] : memref<12544x128xf32, #tpu.memory_space<hbm>> -> memref<12544x128xf32, #tpu.memory_space<hbm>>
    tpu.enqueue_indirect_dma source(%dma_start3A_8 : memref<12544x128xf32, #tpu.memory_space<hbm>>) target(%dma_start3A_2 : memref<128x128xf32, #tpu.memory_space<vmem>>) offsets(%dma_start3A_5 : memref<128xi32, #tpu.memory_space<vmem>>) semaphore(%arg7 : memref<!tpu.dma_semaphore, #tpu.memory_space<semaphore_mem>>)
    %dma_start3A_9 = arith.constant 1 : i32
    %dma_start3A_10 = arith.constant 128 : i32
    %dma_start3A_11 = arith.constant 0 : i32
    %dma_start3A_12 = tpu.memref_slice %arg6[%dma_start3A_10, %dma_start3A_11] : memref<896x128xf32, #tpu.memory_space<vmem>> -> memref<128x128xf32, #tpu.memory_space<vmem>>
    %dma_start3A_13 = arith.constant 0 : i32
    %dma_start3A_14 = tpu.memref_slice %arg5[%dma_start3A_9, %dma_start3A_13] : memref<7x128xi32, #tpu.memory_space<vmem>> -> memref<1x128xi32, #tpu.memory_space<vmem>>
    %dma_start3A_15 = tpu.memref_squeeze %dma_start3A_14 : memref<1x128xi32, #tpu.memory_space<vmem>> -> memref<128xi32, #tpu.memory_space<vmem>>
    %dma_start3A_16 = arith.constant 0 : i32
    %dma_start3A_17 = arith.constant 0 : i32
    %dma_start3A_18 = tpu.memref_slice %arg2[%dma_start3A_16, %dma_start3A_17] : memref<12544x128xf32, #tpu.memory_space<hbm>> -> memref<12544x128xf32, #tpu.memory_space<hbm>>
    tpu.enqueue_indirect_dma source(%dma_start3A_18 : memref<12544x128xf32, #tpu.memory_space<hbm>>) target(%dma_start3A_12 : memref<128x128xf32, #tpu.memory_space<vmem>>) offsets(%dma_start3A_15 : memref<128xi32, #tpu.memory_space<vmem>>) semaphore(%arg7 : memref<!tpu.dma_semaphore, #tpu.memory_space<semaphore_mem>>)
    %dma_start3A_19 = arith.constant 2 : i32
    %dma_start3A_20 = arith.constant 256 : i32
    %dma_start3A_21 = arith.constant 0 : i32
    %dma_start3A_22 = tpu.memref_slice %arg6[%dma_start3A_20, %dma_start3A_21] : memref<896x128xf32, #tpu.memory_space<vmem>> -> memref<128x128xf32, #tpu.memory_space<vmem>>
    %dma_start3A_23 = arith.constant 0 : i32
    %dma_start3A_24 = tpu.memref_slice %arg5[%dma_start3A_19, %dma_start3A_23] : memref<7x128xi32, #tpu.memory_space<vmem>> -> memref<1x128xi32, #tpu.memory_space<vmem>>
    %dma_start3A_25 = tpu.memref_squeeze %dma_start3A_24 : memref<1x128xi32, #tpu.memory_space<vmem>> -> memref<128xi32, #tpu.memory_space<vmem>>
    %dma_start3A_26 = arith.constant 0 : i32
    %dma_start3A_27 = arith.constant 0 : i32
    %dma_start3A_28 = tpu.memref_slice %arg2[%dma_start3A_26, %dma_start3A_27] : memref<12544x128xf32, #tpu.memory_space<hbm>> -> memref<12544x128xf32, #tpu.memory_space<hbm>>
    tpu.enqueue_indirect_dma source(%dma_start3A_28 : memref<12544x128xf32, #tpu.memory_space<hbm>>) target(%dma_start3A_22 : memref<128x128xf32, #tpu.memory_space<vmem>>) offsets(%dma_start3A_25 : memref<128xi32, #tpu.memory_space<vmem>>) semaphore(%arg7 : memref<!tpu.dma_semaphore, #tpu.memory_space<semaphore_mem>>)
    %dma_start3A_29 = arith.constant 3 : i32
    %dma_start3A_30 = arith.constant 384 : i32
    %dma_start3A_31 = arith.constant 0 : i32
    %dma_start3A_32 = tpu.memref_slice %arg6[%dma_start3A_30, %dma_start3A_31] : memref<896x128xf32, #tpu.memory_space<vmem>> -> memref<128x128xf32, #tpu.memory_space<vmem>>
    %dma_start3A_33 = arith.constant 0 : i32
    %dma_start3A_34 = tpu.memref_slice %arg5[%dma_start3A_29, %dma_start3A_33] : memref<7x128xi32, #tpu.memory_space<vmem>> -> memref<1x128xi32, #tpu.memory_space<vmem>>
    %dma_start3A_35 = tpu.memref_squeeze %dma_start3A_34 : memref<1x128xi32, #tpu.memory_space<vmem>> -> memref<128xi32, #tpu.memory_space<vmem>>
    %dma_start3A_36 = arith.constant 0 : i32
    %dma_start3A_37 = arith.constant 0 : i32
    %dma_start3A_38 = tpu.memref_slice %arg2[%dma_start3A_36, %dma_start3A_37] : memref<12544x128xf32, #tpu.memory_space<hbm>> -> memref<12544x128xf32, #tpu.memory_space<hbm>>
    tpu.enqueue_indirect_dma source(%dma_start3A_38 : memref<12544x128xf32, #tpu.memory_space<hbm>>) target(%dma_start3A_32 : memref<128x128xf32, #tpu.memory_space<vmem>>) offsets(%dma_start3A_35 : memref<128xi32, #tpu.memory_space<vmem>>) semaphore(%arg7 : memref<!tpu.dma_semaphore, #tpu.memory_space<semaphore_mem>>)
    %dma_start3A_39 = arith.constant 4 : i32
    %dma_start3A_40 = arith.constant 512 : i32
    %dma_start3A_41 = arith.constant 0 : i32
    %dma_start3A_42 = tpu.memref_slice %arg6[%dma_start3A_40, %dma_start3A_41] : memref<896x128xf32, #tpu.memory_space<vmem>> -> memref<128x128xf32, #tpu.memory_space<vmem>>
    %dma_start3A_43 = arith.constant 0 : i32
    %dma_start3A_44 = tpu.memref_slice %arg5[%dma_start3A_39, %dma_start3A_43] : memref<7x128xi32, #tpu.memory_space<vmem>> -> memref<1x128xi32, #tpu.memory_space<vmem>>
    %dma_start3A_45 = tpu.memref_squeeze %dma_start3A_44 : memref<1x128xi32, #tpu.memory_space<vmem>> -> memref<128xi32, #tpu.memory_space<vmem>>
    %dma_start3A_46 = arith.constant 0 : i32
    %dma_start3A_47 = arith.constant 0 : i32
    %dma_start3A_48 = tpu.memref_slice %arg2[%dma_start3A_46, %dma_start3A_47] : memref<12544x128xf32, #tpu.memory_space<hbm>> -> memref<12544x128xf32, #tpu.memory_space<hbm>>
    tpu.enqueue_indirect_dma source(%dma_start3A_48 : memref<12544x128xf32, #tpu.memory_space<hbm>>) target(%dma_start3A_42 : memref<128x128xf32, #tpu.memory_space<vmem>>) offsets(%dma_start3A_45 : memref<128xi32, #tpu.memory_space<vmem>>) semaphore(%arg7 : memref<!tpu.dma_semaphore, #tpu.memory_space<semaphore_mem>>)
    %dma_start3A_49 = arith.constant 5 : i32
    %dma_start3A_50 = arith.constant 640 : i32
    %dma_start3A_51 = arith.constant 0 : i32
    %dma_start3A_52 = tpu.memref_slice %arg6[%dma_start3A_50, %dma_start3A_51] : memref<896x128xf32, #tpu.memory_space<vmem>> -> memref<128x128xf32, #tpu.memory_space<vmem>>
    %dma_start3A_53 = arith.constant 0 : i32
    %dma_start3A_54 = tpu.memref_slice %arg5[%dma_start3A_49, %dma_start3A_53] : memref<7x128xi32, #tpu.memory_space<vmem>> -> memref<1x128xi32, #tpu.memory_space<vmem>>
    %dma_start3A_55 = tpu.memref_squeeze %dma_start3A_54 : memref<1x128xi32, #tpu.memory_space<vmem>> -> memref<128xi32, #tpu.memory_space<vmem>>
    %dma_start3A_56 = arith.constant 0 : i32
    %dma_start3A_57 = arith.constant 0 : i32
    %dma_start3A_58 = tpu.memref_slice %arg2[%dma_start3A_56, %dma_start3A_57] : memref<12544x128xf32, #tpu.memory_space<hbm>> -> memref<12544x128xf32, #tpu.memory_space<hbm>>
    tpu.enqueue_indirect_dma source(%dma_start3A_58 : memref<12544x128xf32, #tpu.memory_space<hbm>>) target(%dma_start3A_52 : memref<128x128xf32, #tpu.memory_space<vmem>>) offsets(%dma_start3A_55 : memref<128xi32, #tpu.memory_space<vmem>>) semaphore(%arg7 : memref<!tpu.dma_semaphore, #tpu.memory_space<semaphore_mem>>)
    %dma_start3A_59 = arith.constant 6 : i32
    %dma_start3A_60 = arith.constant 768 : i32
    %dma_start3A_61 = arith.constant 0 : i32
    %dma_start3A_62 = tpu.memref_slice %arg6[%dma_start3A_60, %dma_start3A_61] : memref<896x128xf32, #tpu.memory_space<vmem>> -> memref<128x128xf32, #tpu.memory_space<vmem>>
    %dma_start3A_63 = arith.constant 0 : i32
    %dma_start3A_64 = tpu.memref_slice %arg5[%dma_start3A_59, %dma_start3A_63] : memref<7x128xi32, #tpu.memory_space<vmem>> -> memref<1x128xi32, #tpu.memory_space<vmem>>
    %dma_start3A_65 = tpu.memref_squeeze %dma_start3A_64 : memref<1x128xi32, #tpu.memory_space<vmem>> -> memref<128xi32, #tpu.memory_space<vmem>>
    %dma_start3A_66 = arith.constant 0 : i32
    %dma_start3A_67 = arith.constant 0 : i32
    %dma_start3A_68 = tpu.memref_slice %arg2[%dma_start3A_66, %dma_start3A_67] : memref<12544x128xf32, #tpu.memory_space<hbm>> -> memref<12544x128xf32, #tpu.memory_space<hbm>>
    tpu.enqueue_indirect_dma source(%dma_start3A_68 : memref<12544x128xf32, #tpu.memory_space<hbm>>) target(%dma_start3A_62 : memref<128x128xf32, #tpu.memory_space<vmem>>) offsets(%dma_start3A_65 : memref<128xi32, #tpu.memory_space<vmem>>) semaphore(%arg7 : memref<!tpu.dma_semaphore, #tpu.memory_space<semaphore_mem>>)
    %dma_wait3A = arith.constant 0 : i32
    %dma_wait3A_69 = arith.constant 0 : i32
    %dma_wait3A_70 = arith.constant 0 : i32
    %dma_wait3A_71 = tpu.memref_slice %arg6[%dma_wait3A_69, %dma_wait3A_70] : memref<896x128xf32, #tpu.memory_space<vmem>> -> memref<128x128xf32, #tpu.memory_space<vmem>>
    %dma_wait3A_72 = arith.constant 0 : i32
    %dma_wait3A_73 = tpu.memref_slice %arg5[%dma_wait3A, %dma_wait3A_72] : memref<7x128xi32, #tpu.memory_space<vmem>> -> memref<1x128xi32, #tpu.memory_space<vmem>>
    %dma_wait3A_74 = tpu.memref_squeeze %dma_wait3A_73 : memref<1x128xi32, #tpu.memory_space<vmem>> -> memref<128xi32, #tpu.memory_space<vmem>>
    %dma_wait3A_75 = arith.constant 0 : i32
    %dma_wait3A_76 = arith.constant 0 : i32
    %dma_wait3A_77 = tpu.memref_slice %arg2[%dma_wait3A_75, %dma_wait3A_76] : memref<12544x128xf32, #tpu.memory_space<hbm>> -> memref<12544x128xf32, #tpu.memory_space<hbm>>
    tpu.wait_indirect_dma semaphore(%arg7 : memref<!tpu.dma_semaphore, #tpu.memory_space<semaphore_mem>>) src(%dma_wait3A_77 : memref<12544x128xf32, #tpu.memory_space<hbm>>) dst(%dma_wait3A_71 : memref<128x128xf32, #tpu.memory_space<vmem>>)
    %dma_wait3A_78 = arith.constant 1 : i32
    %dma_wait3A_79 = arith.constant 128 : i32
    %dma_wait3A_80 = arith.constant 0 : i32
    %dma_wait3A_81 = tpu.memref_slice %arg6[%dma_wait3A_79, %dma_wait3A_80] : memref<896x128xf32, #tpu.memory_space<vmem>> -> memref<128x128xf32, #tpu.memory_space<vmem>>
    %dma_wait3A_82 = arith.constant 0 : i32
    %dma_wait3A_83 = tpu.memref_slice %arg5[%dma_wait3A_78, %dma_wait3A_82] : memref<7x128xi32, #tpu.memory_space<vmem>> -> memref<1x128xi32, #tpu.memory_space<vmem>>
    %dma_wait3A_84 = tpu.memref_squeeze %dma_wait3A_83 : memref<1x128xi32, #tpu.memory_space<vmem>> -> memref<128xi32, #tpu.memory_space<vmem>>
    %dma_wait3A_85 = arith.constant 0 : i32
    %dma_wait3A_86 = arith.constant 0 : i32
    %dma_wait3A_87 = tpu.memref_slice %arg2[%dma_wait3A_85, %dma_wait3A_86] : memref<12544x128xf32, #tpu.memory_space<hbm>> -> memref<12544x128xf32, #tpu.memory_space<hbm>>
    tpu.wait_indirect_dma semaphore(%arg7 : memref<!tpu.dma_semaphore, #tpu.memory_space<semaphore_mem>>) src(%dma_wait3A_87 : memref<12544x128xf32, #tpu.memory_space<hbm>>) dst(%dma_wait3A_81 : memref<128x128xf32, #tpu.memory_space<vmem>>)
    %dma_wait3A_88 = arith.constant 2 : i32
    %dma_wait3A_89 = arith.constant 256 : i32
    %dma_wait3A_90 = arith.constant 0 : i32
    %dma_wait3A_91 = tpu.memref_slice %arg6[%dma_wait3A_89, %dma_wait3A_90] : memref<896x128xf32, #tpu.memory_space<vmem>> -> memref<128x128xf32, #tpu.memory_space<vmem>>
    %dma_wait3A_92 = arith.constant 0 : i32
    %dma_wait3A_93 = tpu.memref_slice %arg5[%dma_wait3A_88, %dma_wait3A_92] : memref<7x128xi32, #tpu.memory_space<vmem>> -> memref<1x128xi32, #tpu.memory_space<vmem>>
    %dma_wait3A_94 = tpu.memref_squeeze %dma_wait3A_93 : memref<1x128xi32, #tpu.memory_space<vmem>> -> memref<128xi32, #tpu.memory_space<vmem>>
    %dma_wait3A_95 = arith.constant 0 : i32
    %dma_wait3A_96 = arith.constant 0 : i32
    %dma_wait3A_97 = tpu.memref_slice %arg2[%dma_wait3A_95, %dma_wait3A_96] : memref<12544x128xf32, #tpu.memory_space<hbm>> -> memref<12544x128xf32, #tpu.memory_space<hbm>>
    tpu.wait_indirect_dma semaphore(%arg7 : memref<!tpu.dma_semaphore, #tpu.memory_space<semaphore_mem>>) src(%dma_wait3A_97 : memref<12544x128xf32, #tpu.memory_space<hbm>>) dst(%dma_wait3A_91 : memref<128x128xf32, #tpu.memory_space<vmem>>)
    %dma_wait3A_98 = arith.constant 3 : i32
    %dma_wait3A_99 = arith.constant 384 : i32
    %dma_wait3A_100 = arith.constant 0 : i32
    %dma_wait3A_101 = tpu.memref_slice %arg6[%dma_wait3A_99, %dma_wait3A_100] : memref<896x128xf32, #tpu.memory_space<vmem>> -> memref<128x128xf32, #tpu.memory_space<vmem>>
    %dma_wait3A_102 = arith.constant 0 : i32
    %dma_wait3A_103 = tpu.memref_slice %arg5[%dma_wait3A_98, %dma_wait3A_102] : memref<7x128xi32, #tpu.memory_space<vmem>> -> memref<1x128xi32, #tpu.memory_space<vmem>>
    %dma_wait3A_104 = tpu.memref_squeeze %dma_wait3A_103 : memref<1x128xi32, #tpu.memory_space<vmem>> -> memref<128xi32, #tpu.memory_space<vmem>>
    %dma_wait3A_105 = arith.constant 0 : i32
    %dma_wait3A_106 = arith.constant 0 : i32
    %dma_wait3A_107 = tpu.memref_slice %arg2[%dma_wait3A_105, %dma_wait3A_106] : memref<12544x128xf32, #tpu.memory_space<hbm>> -> memref<12544x128xf32, #tpu.memory_space<hbm>>
    tpu.wait_indirect_dma semaphore(%arg7 : memref<!tpu.dma_semaphore, #tpu.memory_space<semaphore_mem>>) src(%dma_wait3A_107 : memref<12544x128xf32, #tpu.memory_space<hbm>>) dst(%dma_wait3A_101 : memref<128x128xf32, #tpu.memory_space<vmem>>)
    %dma_wait3A_108 = arith.constant 4 : i32
    %dma_wait3A_109 = arith.constant 512 : i32
    %dma_wait3A_110 = arith.constant 0 : i32
    %dma_wait3A_111 = tpu.memref_slice %arg6[%dma_wait3A_109, %dma_wait3A_110] : memref<896x128xf32, #tpu.memory_space<vmem>> -> memref<128x128xf32, #tpu.memory_space<vmem>>
    %dma_wait3A_112 = arith.constant 0 : i32
    %dma_wait3A_113 = tpu.memref_slice %arg5[%dma_wait3A_108, %dma_wait3A_112] : memref<7x128xi32, #tpu.memory_space<vmem>> -> memref<1x128xi32, #tpu.memory_space<vmem>>
    %dma_wait3A_114 = tpu.memref_squeeze %dma_wait3A_113 : memref<1x128xi32, #tpu.memory_space<vmem>> -> memref<128xi32, #tpu.memory_space<vmem>>
    %dma_wait3A_115 = arith.constant 0 : i32
    %dma_wait3A_116 = arith.constant 0 : i32
    %dma_wait3A_117 = tpu.memref_slice %arg2[%dma_wait3A_115, %dma_wait3A_116] : memref<12544x128xf32, #tpu.memory_space<hbm>> -> memref<12544x128xf32, #tpu.memory_space<hbm>>
    tpu.wait_indirect_dma semaphore(%arg7 : memref<!tpu.dma_semaphore, #tpu.memory_space<semaphore_mem>>) src(%dma_wait3A_117 : memref<12544x128xf32, #tpu.memory_space<hbm>>) dst(%dma_wait3A_111 : memref<128x128xf32, #tpu.memory_space<vmem>>)
    %dma_wait3A_118 = arith.constant 5 : i32
    %dma_wait3A_119 = arith.constant 640 : i32
    %dma_wait3A_120 = arith.constant 0 : i32
    %dma_wait3A_121 = tpu.memref_slice %arg6[%dma_wait3A_119, %dma_wait3A_120] : memref<896x128xf32, #tpu.memory_space<vmem>> -> memref<128x128xf32, #tpu.memory_space<vmem>>
    %dma_wait3A_122 = arith.constant 0 : i32
    %dma_wait3A_123 = tpu.memref_slice %arg5[%dma_wait3A_118, %dma_wait3A_122] : memref<7x128xi32, #tpu.memory_space<vmem>> -> memref<1x128xi32, #tpu.memory_space<vmem>>
    %dma_wait3A_124 = tpu.memref_squeeze %dma_wait3A_123 : memref<1x128xi32, #tpu.memory_space<vmem>> -> memref<128xi32, #tpu.memory_space<vmem>>
    %dma_wait3A_125 = arith.constant 0 : i32
    %dma_wait3A_126 = arith.constant 0 : i32
    %dma_wait3A_127 = tpu.memref_slice %arg2[%dma_wait3A_125, %dma_wait3A_126] : memref<12544x128xf32, #tpu.memory_space<hbm>> -> memref<12544x128xf32, #tpu.memory_space<hbm>>
    tpu.wait_indirect_dma semaphore(%arg7 : memref<!tpu.dma_semaphore, #tpu.memory_space<semaphore_mem>>) src(%dma_wait3A_127 : memref<12544x128xf32, #tpu.memory_space<hbm>>) dst(%dma_wait3A_121 : memref<128x128xf32, #tpu.memory_space<vmem>>)
    %dma_wait3A_128 = arith.constant 6 : i32
    %dma_wait3A_129 = arith.constant 768 : i32
    %dma_wait3A_130 = arith.constant 0 : i32
    %dma_wait3A_131 = tpu.memref_slice %arg6[%dma_wait3A_129, %dma_wait3A_130] : memref<896x128xf32, #tpu.memory_space<vmem>> -> memref<128x128xf32, #tpu.memory_space<vmem>>
    %dma_wait3A_132 = arith.constant 0 : i32
    %dma_wait3A_133 = tpu.memref_slice %arg5[%dma_wait3A_128, %dma_wait3A_132] : memref<7x128xi32, #tpu.memory_space<vmem>> -> memref<1x128xi32, #tpu.memory_space<vmem>>
    %dma_wait3A_134 = tpu.memref_squeeze %dma_wait3A_133 : memref<1x128xi32, #tpu.memory_space<vmem>> -> memref<128xi32, #tpu.memory_space<vmem>>
    %dma_wait3A_135 = arith.constant 0 : i32
    %dma_wait3A_136 = arith.constant 0 : i32
    %dma_wait3A_137 = tpu.memref_slice %arg2[%dma_wait3A_135, %dma_wait3A_136] : memref<12544x128xf32, #tpu.memory_space<hbm>> -> memref<12544x128xf32, #tpu.memory_space<hbm>>
    tpu.wait_indirect_dma semaphore(%arg7 : memref<!tpu.dma_semaphore, #tpu.memory_space<semaphore_mem>>) src(%dma_wait3A_137 : memref<12544x128xf32, #tpu.memory_space<hbm>>) dst(%dma_wait3A_131 : memref<128x128xf32, #tpu.memory_space<vmem>>)
    "tpu.region"() ({
      %run_scoped3A = tpu.sem_alloc : memref<!tpu.dma_semaphore, #tpu.memory_space<semaphore_mem>>
      %dma_start3A_138 = arith.constant 0 : i32
      %dma_start3A_139 = arith.constant 0 : i32
      %dma_start3A_140 = tpu.memref_slice %arg4[%arg0, %arg1, %dma_start3A_138, %dma_start3A_139] : memref<2x16x896x128xf32, #tpu.memory_space<hbm>> -> memref<1x1x896x128xf32, #tpu.memory_space<hbm>>
      %dma_start3A_141 = tpu.memref_squeeze %dma_start3A_140 : memref<1x1x896x128xf32, #tpu.memory_space<hbm>> -> memref<896x128xf32, #tpu.memory_space<hbm>>
      %dma_start3A_142 = arith.constant 0 : i32
      %dma_start3A_143 = arith.constant 0 : i32
      %dma_start3A_144 = tpu.memref_slice %arg4[%arg0, %arg1, %dma_start3A_142, %dma_start3A_143] : memref<2x16x896x128xf32, #tpu.memory_space<hbm>> -> memref<1x1x896x128xf32, #tpu.memory_space<hbm>>
      %dma_start3A_145 = tpu.memref_squeeze %dma_start3A_144 : memref<1x1x896x128xf32, #tpu.memory_space<hbm>> -> memref<896x128xf32, #tpu.memory_space<hbm>>
      tpu.enqueue_dma source(%arg6 : memref<896x128xf32, #tpu.memory_space<vmem>>) target(%dma_start3A_145 : memref<896x128xf32, #tpu.memory_space<hbm>>) target_semaphore(%run_scoped3A : memref<!tpu.dma_semaphore, #tpu.memory_space<semaphore_mem>>)
      %dma_wait3A_146 = arith.constant 0 : i32
      %dma_wait3A_147 = arith.constant 0 : i32
      %dma_wait3A_148 = tpu.memref_slice %arg4[%arg0, %arg1, %dma_wait3A_146, %dma_wait3A_147] : memref<2x16x896x128xf32, #tpu.memory_space<hbm>> -> memref<1x1x896x128xf32, #tpu.memory_space<hbm>>
      %dma_wait3A_149 = tpu.memref_squeeze %dma_wait3A_148 : memref<1x1x896x128xf32, #tpu.memory_space<hbm>> -> memref<896x128xf32, #tpu.memory_space<hbm>>
      %dma_wait3A_150 = arith.constant 0 : i32
      %dma_wait3A_151 = arith.constant 0 : i32
      %dma_wait3A_152 = tpu.memref_slice %arg4[%arg0, %arg1, %dma_wait3A_150, %dma_wait3A_151] : memref<2x16x896x128xf32, #tpu.memory_space<hbm>> -> memref<1x1x896x128xf32, #tpu.memory_space<hbm>>
      %dma_wait3A_153 = tpu.memref_squeeze %dma_wait3A_152 : memref<1x1x896x128xf32, #tpu.memory_space<hbm>> -> memref<896x128xf32, #tpu.memory_space<hbm>>
      tpu.wait_dma2 semaphore(%run_scoped3A : memref<!tpu.dma_semaphore, #tpu.memory_space<semaphore_mem>>) src(%arg6 : memref<896x128xf32, #tpu.memory_space<vmem>>) dst(%dma_wait3A_153 : memref<896x128xf32, #tpu.memory_space<hbm>>)
      tpu.yield
    }) : () -> ()
    return
  }
}

#map = affine_map<(d0, d1) -> (0, 0)>
#map1 = affine_map<(d0, d1) -> (0, 0, 0, 0)>
module attributes {stable_mosaic.version = 14 : i64} {
  func.func @_gather_body(%arg0: i32, %arg1: i32, %arg2: memref<12544x128xf32, #tpu.memory_space<hbm>>, %arg3: memref<2x16x7x128xi32, #tpu.memory_space<hbm>>, %arg4: memref<2x16x896x128xf32, #tpu.memory_space<hbm>>, %arg5: memref<7x128xi32, #tpu.memory_space<vmem>>, %arg6: memref<896x128xf32, #tpu.memory_space<vmem>>, %arg7: memref<!tpu.dma_semaphore, #tpu.memory_space<semaphore_mem>>) attributes {dimension_semantics = [#tpu.dimension_semantics<core_parallel>, #tpu.dimension_semantics<subcore_parallel>], iteration_bounds = array<i64: 2, 16>, scalar_prefetch = 0 : i64, scratch_operands = 3 : i64, tpu.core_type = #tpu.core_type<sc_vector_subcore>, window_params = [{transform_indices = #map}, {transform_indices = #map1}, {transform_indices = #map1}]} {
    "tpu.region"() ({
      %run_scoped3A = tpu.sem_alloc : memref<!tpu.dma_semaphore, #tpu.memory_space<semaphore_mem>>
      %dma_start3A_138 = arith.constant 0 : i32
      %dma_start3A_139 = arith.constant 0 : i32
      %dma_start3A_140 = tpu.memref_slice %arg3[%arg0, %arg1, %dma_start3A_138, %dma_start3A_139] : memref<2x16x7x128xi32, #tpu.memory_space<hbm>> -> memref<1x1x7x128xi32, #tpu.memory_space<hbm>>
      %dma_start3A_141 = tpu.memref_squeeze %dma_start3A_140 : memref<1x1x7x128xi32, #tpu.memory_space<hbm>> -> memref<7x128xi32, #tpu.memory_space<hbm>>
      %dma_start3A_142 = arith.constant 0 : i32
      %dma_start3A_143 = arith.constant 0 : i32
      %dma_start3A_144 = tpu.memref_slice %arg3[%arg0, %arg1, %dma_start3A_142, %dma_start3A_143] : memref<2x16x7x128xi32, #tpu.memory_space<hbm>> -> memref<1x1x7x128xi32, #tpu.memory_space<hbm>>
      %dma_start3A_145 = tpu.memref_squeeze %dma_start3A_144 : memref<1x1x7x128xi32, #tpu.memory_space<hbm>> -> memref<7x128xi32, #tpu.memory_space<hbm>>
      tpu.enqueue_dma source(%dma_start3A_145 : memref<7x128xi32, #tpu.memory_space<hbm>>) target(%arg5 : memref<7x128xi32, #tpu.memory_space<vmem>>) target_semaphore(%run_scoped3A : memref<!tpu.dma_semaphore, #tpu.memory_space<semaphore_mem>>)
      %dma_wait3A_146 = arith.constant 0 : i32
      %dma_wait3A_147 = arith.constant 0 : i32
      %dma_wait3A_148 = tpu.memref_slice %arg3[%arg0, %arg1, %dma_wait3A_146, %dma_wait3A_147] : memref<2x16x7x128xi32, #tpu.memory_space<hbm>> -> memref<1x1x7x128xi32, #tpu.memory_space<hbm>>
      %dma_wait3A_149 = tpu.memref_squeeze %dma_wait3A_148 : memref<1x1x7x128xi32, #tpu.memory_space<hbm>> -> memref<7x128xi32, #tpu.memory_space<hbm>>
      %dma_wait3A_150 = arith.constant 0 : i32
      %dma_wait3A_151 = arith.constant 0 : i32
      %dma_wait3A_152 = tpu.memref_slice %arg3[%arg0, %arg1, %dma_wait3A_150, %dma_wait3A_151] : memref<2x16x7x128xi32, #tpu.memory_space<hbm>> -> memref<1x1x7x128xi32, #tpu.memory_space<hbm>>
      %dma_wait3A_153 = tpu.memref_squeeze %dma_wait3A_152 : memref<1x1x7x128xi32, #tpu.memory_space<hbm>> -> memref<7x128xi32, #tpu.memory_space<hbm>>
      tpu.wait_dma2 semaphore(%run_scoped3A : memref<!tpu.dma_semaphore, #tpu.memory_space<semaphore_mem>>) src(%dma_wait3A_153 : memref<7x128xi32, #tpu.memory_space<hbm>>) dst(%arg5 : memref<7x128xi32, #tpu.memory_space<vmem>>)
      tpu.yield
    }) : () -> ()
    %dma_start3A = arith.constant 0 : i32
    %dma_start3A_0 = arith.constant 0 : i32
    %dma_start3A_1 = arith.constant 0 : i32
    %dma_start3A_2 = tpu.memref_slice %arg6[%dma_start3A_0, %dma_start3A_1] : memref<896x128xf32, #tpu.memory_space<vmem>> -> memref<128x128xf32, #tpu.memory_space<vmem>>
    %dma_start3A_3 = arith.constant 0 : i32
    %dma_start3A_4 = tpu.memref_slice %arg5[%dma_start3A, %dma_start3A_3] : memref<7x128xi32, #tpu.memory_space<vmem>> -> memref<1x128xi32, #tpu.memory_space<vmem>>
    %dma_start3A_5 = tpu.memref_squeeze %dma_start3A_4 : memref<1x128xi32, #tpu.memory_space<vmem>> -> memref<128xi32, #tpu.memory_space<vmem>>
    %dma_start3A_6 = arith.constant 0 : i32
    %dma_start3A_7 = arith.constant 0 : i32
    %dma_start3A_8 = tpu.memref_slice %arg2[%dma_start3A_6, %dma_start3A_7] : memref<12544x128xf32, #tpu.memory_space<hbm>> -> memref<12544x128xf32, #tpu.memory_space<hbm>>
    tpu.enqueue_indirect_dma source(%dma_start3A_8 : memref<12544x128xf32, #tpu.memory_space<hbm>>) target(%dma_start3A_2 : memref<128x128xf32, #tpu.memory_space<vmem>>) offsets(%dma_start3A_5 : memref<128xi32, #tpu.memory_space<vmem>>) semaphore(%arg7 : memref<!tpu.dma_semaphore, #tpu.memory_space<semaphore_mem>>)
    %dma_start3A_9 = arith.constant 1 : i32
    %dma_start3A_10 = arith.constant 128 : i32
    %dma_start3A_11 = arith.constant 0 : i32
    %dma_start3A_12 = tpu.memref_slice %arg6[%dma_start3A_10, %dma_start3A_11] : memref<896x128xf32, #tpu.memory_space<vmem>> -> memref<128x128xf32, #tpu.memory_space<vmem>>
    %dma_start3A_13 = arith.constant 0 : i32
    %dma_start3A_14 = tpu.memref_slice %arg5[%dma_start3A_9, %dma_start3A_13] : memref<7x128xi32, #tpu.memory_space<vmem>> -> memref<1x128xi32, #tpu.memory_space<vmem>>
    %dma_start3A_15 = tpu.memref_squeeze %dma_start3A_14 : memref<1x128xi32, #tpu.memory_space<vmem>> -> memref<128xi32, #tpu.memory_space<vmem>>
    %dma_start3A_16 = arith.constant 0 : i32
    %dma_start3A_17 = arith.constant 0 : i32
    %dma_start3A_18 = tpu.memref_slice %arg2[%dma_start3A_16, %dma_start3A_17] : memref<12544x128xf32, #tpu.memory_space<hbm>> -> memref<12544x128xf32, #tpu.memory_space<hbm>>
    tpu.enqueue_indirect_dma source(%dma_start3A_18 : memref<12544x128xf32, #tpu.memory_space<hbm>>) target(%dma_start3A_12 : memref<128x128xf32, #tpu.memory_space<vmem>>) offsets(%dma_start3A_15 : memref<128xi32, #tpu.memory_space<vmem>>) semaphore(%arg7 : memref<!tpu.dma_semaphore, #tpu.memory_space<semaphore_mem>>)
    %dma_start3A_19 = arith.constant 2 : i32
    %dma_start3A_20 = arith.constant 256 : i32
    %dma_start3A_21 = arith.constant 0 : i32
    %dma_start3A_22 = tpu.memref_slice %arg6[%dma_start3A_20, %dma_start3A_21] : memref<896x128xf32, #tpu.memory_space<vmem>> -> memref<128x128xf32, #tpu.memory_space<vmem>>
    %dma_start3A_23 = arith.constant 0 : i32
    %dma_start3A_24 = tpu.memref_slice %arg5[%dma_start3A_19, %dma_start3A_23] : memref<7x128xi32, #tpu.memory_space<vmem>> -> memref<1x128xi32, #tpu.memory_space<vmem>>
    %dma_start3A_25 = tpu.memref_squeeze %dma_start3A_24 : memref<1x128xi32, #tpu.memory_space<vmem>> -> memref<128xi32, #tpu.memory_space<vmem>>
    %dma_start3A_26 = arith.constant 0 : i32
    %dma_start3A_27 = arith.constant 0 : i32
    %dma_start3A_28 = tpu.memref_slice %arg2[%dma_start3A_26, %dma_start3A_27] : memref<12544x128xf32, #tpu.memory_space<hbm>> -> memref<12544x128xf32, #tpu.memory_space<hbm>>
    tpu.enqueue_indirect_dma source(%dma_start3A_28 : memref<12544x128xf32, #tpu.memory_space<hbm>>) target(%dma_start3A_22 : memref<128x128xf32, #tpu.memory_space<vmem>>) offsets(%dma_start3A_25 : memref<128xi32, #tpu.memory_space<vmem>>) semaphore(%arg7 : memref<!tpu.dma_semaphore, #tpu.memory_space<semaphore_mem>>)
    %dma_start3A_29 = arith.constant 3 : i32
    %dma_start3A_30 = arith.constant 384 : i32
    %dma_start3A_31 = arith.constant 0 : i32
    %dma_start3A_32 = tpu.memref_slice %arg6[%dma_start3A_30, %dma_start3A_31] : memref<896x128xf32, #tpu.memory_space<vmem>> -> memref<128x128xf32, #tpu.memory_space<vmem>>
    %dma_start3A_33 = arith.constant 0 : i32
    %dma_start3A_34 = tpu.memref_slice %arg5[%dma_start3A_29, %dma_start3A_33] : memref<7x128xi32, #tpu.memory_space<vmem>> -> memref<1x128xi32, #tpu.memory_space<vmem>>
    %dma_start3A_35 = tpu.memref_squeeze %dma_start3A_34 : memref<1x128xi32, #tpu.memory_space<vmem>> -> memref<128xi32, #tpu.memory_space<vmem>>
    %dma_start3A_36 = arith.constant 0 : i32
    %dma_start3A_37 = arith.constant 0 : i32
    %dma_start3A_38 = tpu.memref_slice %arg2[%dma_start3A_36, %dma_start3A_37] : memref<12544x128xf32, #tpu.memory_space<hbm>> -> memref<12544x128xf32, #tpu.memory_space<hbm>>
    tpu.enqueue_indirect_dma source(%dma_start3A_38 : memref<12544x128xf32, #tpu.memory_space<hbm>>) target(%dma_start3A_32 : memref<128x128xf32, #tpu.memory_space<vmem>>) offsets(%dma_start3A_35 : memref<128xi32, #tpu.memory_space<vmem>>) semaphore(%arg7 : memref<!tpu.dma_semaphore, #tpu.memory_space<semaphore_mem>>)
    %dma_start3A_39 = arith.constant 4 : i32
    %dma_start3A_40 = arith.constant 512 : i32
    %dma_start3A_41 = arith.constant 0 : i32
    %dma_start3A_42 = tpu.memref_slice %arg6[%dma_start3A_40, %dma_start3A_41] : memref<896x128xf32, #tpu.memory_space<vmem>> -> memref<128x128xf32, #tpu.memory_space<vmem>>
    %dma_start3A_43 = arith.constant 0 : i32
    %dma_start3A_44 = tpu.memref_slice %arg5[%dma_start3A_39, %dma_start3A_43] : memref<7x128xi32, #tpu.memory_space<vmem>> -> memref<1x128xi32, #tpu.memory_space<vmem>>
    %dma_start3A_45 = tpu.memref_squeeze %dma_start3A_44 : memref<1x128xi32, #tpu.memory_space<vmem>> -> memref<128xi32, #tpu.memory_space<vmem>>
    %dma_start3A_46 = arith.constant 0 : i32
    %dma_start3A_47 = arith.constant 0 : i32
    %dma_start3A_48 = tpu.memref_slice %arg2[%dma_start3A_46, %dma_start3A_47] : memref<12544x128xf32, #tpu.memory_space<hbm>> -> memref<12544x128xf32, #tpu.memory_space<hbm>>
    tpu.enqueue_indirect_dma source(%dma_start3A_48 : memref<12544x128xf32, #tpu.memory_space<hbm>>) target(%dma_start3A_42 : memref<128x128xf32, #tpu.memory_space<vmem>>) offsets(%dma_start3A_45 : memref<128xi32, #tpu.memory_space<vmem>>) semaphore(%arg7 : memref<!tpu.dma_semaphore, #tpu.memory_space<semaphore_mem>>)
    %dma_start3A_49 = arith.constant 5 : i32
    %dma_start3A_50 = arith.constant 640 : i32
    %dma_start3A_51 = arith.constant 0 : i32
    %dma_start3A_52 = tpu.memref_slice %arg6[%dma_start3A_50, %dma_start3A_51] : memref<896x128xf32, #tpu.memory_space<vmem>> -> memref<128x128xf32, #tpu.memory_space<vmem>>
    %dma_start3A_53 = arith.constant 0 : i32
    %dma_start3A_54 = tpu.memref_slice %arg5[%dma_start3A_49, %dma_start3A_53] : memref<7x128xi32, #tpu.memory_space<vmem>> -> memref<1x128xi32, #tpu.memory_space<vmem>>
    %dma_start3A_55 = tpu.memref_squeeze %dma_start3A_54 : memref<1x128xi32, #tpu.memory_space<vmem>> -> memref<128xi32, #tpu.memory_space<vmem>>
    %dma_start3A_56 = arith.constant 0 : i32
    %dma_start3A_57 = arith.constant 0 : i32
    %dma_start3A_58 = tpu.memref_slice %arg2[%dma_start3A_56, %dma_start3A_57] : memref<12544x128xf32, #tpu.memory_space<hbm>> -> memref<12544x128xf32, #tpu.memory_space<hbm>>
    tpu.enqueue_indirect_dma source(%dma_start3A_58 : memref<12544x128xf32, #tpu.memory_space<hbm>>) target(%dma_start3A_52 : memref<128x128xf32, #tpu.memory_space<vmem>>) offsets(%dma_start3A_55 : memref<128xi32, #tpu.memory_space<vmem>>) semaphore(%arg7 : memref<!tpu.dma_semaphore, #tpu.memory_space<semaphore_mem>>)
    %dma_start3A_59 = arith.constant 6 : i32
    %dma_start3A_60 = arith.constant 768 : i32
    %dma_start3A_61 = arith.constant 0 : i32
    %dma_start3A_62 = tpu.memref_slice %arg6[%dma_start3A_60, %dma_start3A_61] : memref<896x128xf32, #tpu.memory_space<vmem>> -> memref<128x128xf32, #tpu.memory_space<vmem>>
    %dma_start3A_63 = arith.constant 0 : i32
    %dma_start3A_64 = tpu.memref_slice %arg5[%dma_start3A_59, %dma_start3A_63] : memref<7x128xi32, #tpu.memory_space<vmem>> -> memref<1x128xi32, #tpu.memory_space<vmem>>
    %dma_start3A_65 = tpu.memref_squeeze %dma_start3A_64 : memref<1x128xi32, #tpu.memory_space<vmem>> -> memref<128xi32, #tpu.memory_space<vmem>>
    %dma_start3A_66 = arith.constant 0 : i32
    %dma_start3A_67 = arith.constant 0 : i32
    %dma_start3A_68 = tpu.memref_slice %arg2[%dma_start3A_66, %dma_start3A_67] : memref<12544x128xf32, #tpu.memory_space<hbm>> -> memref<12544x128xf32, #tpu.memory_space<hbm>>
    tpu.enqueue_indirect_dma source(%dma_start3A_68 : memref<12544x128xf32, #tpu.memory_space<hbm>>) target(%dma_start3A_62 : memref<128x128xf32, #tpu.memory_space<vmem>>) offsets(%dma_start3A_65 : memref<128xi32, #tpu.memory_space<vmem>>) semaphore(%arg7 : memref<!tpu.dma_semaphore, #tpu.memory_space<semaphore_mem>>)
    %dma_wait3A = arith.constant 0 : i32
    %dma_wait3A_69 = arith.constant 0 : i32
    %dma_wait3A_70 = arith.constant 0 : i32
    %dma_wait3A_71 = tpu.memref_slice %arg6[%dma_wait3A_69, %dma_wait3A_70] : memref<896x128xf32, #tpu.memory_space<vmem>> -> memref<128x128xf32, #tpu.memory_space<vmem>>
    %dma_wait3A_72 = arith.constant 0 : i32
    %dma_wait3A_73 = tpu.memref_slice %arg5[%dma_wait3A, %dma_wait3A_72] : memref<7x128xi32, #tpu.memory_space<vmem>> -> memref<1x128xi32, #tpu.memory_space<vmem>>
    %dma_wait3A_74 = tpu.memref_squeeze %dma_wait3A_73 : memref<1x128xi32, #tpu.memory_space<vmem>> -> memref<128xi32, #tpu.memory_space<vmem>>
    %dma_wait3A_75 = arith.constant 0 : i32
    %dma_wait3A_76 = arith.constant 0 : i32
    %dma_wait3A_77 = tpu.memref_slice %arg2[%dma_wait3A_75, %dma_wait3A_76] : memref<12544x128xf32, #tpu.memory_space<hbm>> -> memref<12544x128xf32, #tpu.memory_space<hbm>>
    tpu.wait_indirect_dma semaphore(%arg7 : memref<!tpu.dma_semaphore, #tpu.memory_space<semaphore_mem>>) src(%dma_wait3A_77 : memref<12544x128xf32, #tpu.memory_space<hbm>>) dst(%dma_wait3A_71 : memref<128x128xf32, #tpu.memory_space<vmem>>)
    %dma_wait3A_78 = arith.constant 1 : i32
    %dma_wait3A_79 = arith.constant 128 : i32
    %dma_wait3A_80 = arith.constant 0 : i32
    %dma_wait3A_81 = tpu.memref_slice %arg6[%dma_wait3A_79, %dma_wait3A_80] : memref<896x128xf32, #tpu.memory_space<vmem>> -> memref<128x128xf32, #tpu.memory_space<vmem>>
    %dma_wait3A_82 = arith.constant 0 : i32
    %dma_wait3A_83 = tpu.memref_slice %arg5[%dma_wait3A_78, %dma_wait3A_82] : memref<7x128xi32, #tpu.memory_space<vmem>> -> memref<1x128xi32, #tpu.memory_space<vmem>>
    %dma_wait3A_84 = tpu.memref_squeeze %dma_wait3A_83 : memref<1x128xi32, #tpu.memory_space<vmem>> -> memref<128xi32, #tpu.memory_space<vmem>>
    %dma_wait3A_85 = arith.constant 0 : i32
    %dma_wait3A_86 = arith.constant 0 : i32
    %dma_wait3A_87 = tpu.memref_slice %arg2[%dma_wait3A_85, %dma_wait3A_86] : memref<12544x128xf32, #tpu.memory_space<hbm>> -> memref<12544x128xf32, #tpu.memory_space<hbm>>
    tpu.wait_indirect_dma semaphore(%arg7 : memref<!tpu.dma_semaphore, #tpu.memory_space<semaphore_mem>>) src(%dma_wait3A_87 : memref<12544x128xf32, #tpu.memory_space<hbm>>) dst(%dma_wait3A_81 : memref<128x128xf32, #tpu.memory_space<vmem>>)
    %dma_wait3A_88 = arith.constant 2 : i32
    %dma_wait3A_89 = arith.constant 256 : i32
    %dma_wait3A_90 = arith.constant 0 : i32
    %dma_wait3A_91 = tpu.memref_slice %arg6[%dma_wait3A_89, %dma_wait3A_90] : memref<896x128xf32, #tpu.memory_space<vmem>> -> memref<128x128xf32, #tpu.memory_space<vmem>>
    %dma_wait3A_92 = arith.constant 0 : i32
    %dma_wait3A_93 = tpu.memref_slice %arg5[%dma_wait3A_88, %dma_wait3A_92] : memref<7x128xi32, #tpu.memory_space<vmem>> -> memref<1x128xi32, #tpu.memory_space<vmem>>
    %dma_wait3A_94 = tpu.memref_squeeze %dma_wait3A_93 : memref<1x128xi32, #tpu.memory_space<vmem>> -> memref<128xi32, #tpu.memory_space<vmem>>
    %dma_wait3A_95 = arith.constant 0 : i32
    %dma_wait3A_96 = arith.constant 0 : i32
    %dma_wait3A_97 = tpu.memref_slice %arg2[%dma_wait3A_95, %dma_wait3A_96] : memref<12544x128xf32, #tpu.memory_space<hbm>> -> memref<12544x128xf32, #tpu.memory_space<hbm>>
    tpu.wait_indirect_dma semaphore(%arg7 : memref<!tpu.dma_semaphore, #tpu.memory_space<semaphore_mem>>) src(%dma_wait3A_97 : memref<12544x128xf32, #tpu.memory_space<hbm>>) dst(%dma_wait3A_91 : memref<128x128xf32, #tpu.memory_space<vmem>>)
    %dma_wait3A_98 = arith.constant 3 : i32
    %dma_wait3A_99 = arith.constant 384 : i32
    %dma_wait3A_100 = arith.constant 0 : i32
    %dma_wait3A_101 = tpu.memref_slice %arg6[%dma_wait3A_99, %dma_wait3A_100] : memref<896x128xf32, #tpu.memory_space<vmem>> -> memref<128x128xf32, #tpu.memory_space<vmem>>
    %dma_wait3A_102 = arith.constant 0 : i32
    %dma_wait3A_103 = tpu.memref_slice %arg5[%dma_wait3A_98, %dma_wait3A_102] : memref<7x128xi32, #tpu.memory_space<vmem>> -> memref<1x128xi32, #tpu.memory_space<vmem>>
    %dma_wait3A_104 = tpu.memref_squeeze %dma_wait3A_103 : memref<1x128xi32, #tpu.memory_space<vmem>> -> memref<128xi32, #tpu.memory_space<vmem>>
    %dma_wait3A_105 = arith.constant 0 : i32
    %dma_wait3A_106 = arith.constant 0 : i32
    %dma_wait3A_107 = tpu.memref_slice %arg2[%dma_wait3A_105, %dma_wait3A_106] : memref<12544x128xf32, #tpu.memory_space<hbm>> -> memref<12544x128xf32, #tpu.memory_space<hbm>>
    tpu.wait_indirect_dma semaphore(%arg7 : memref<!tpu.dma_semaphore, #tpu.memory_space<semaphore_mem>>) src(%dma_wait3A_107 : memref<12544x128xf32, #tpu.memory_space<hbm>>) dst(%dma_wait3A_101 : memref<128x128xf32, #tpu.memory_space<vmem>>)
    %dma_wait3A_108 = arith.constant 4 : i32
    %dma_wait3A_109 = arith.constant 512 : i32
    %dma_wait3A_110 = arith.constant 0 : i32
    %dma_wait3A_111 = tpu.memref_slice %arg6[%dma_wait3A_109, %dma_wait3A_110] : memref<896x128xf32, #tpu.memory_space<vmem>> -> memref<128x128xf32, #tpu.memory_space<vmem>>
    %dma_wait3A_112 = arith.constant 0 : i32
    %dma_wait3A_113 = tpu.memref_slice %arg5[%dma_wait3A_108, %dma_wait3A_112] : memref<7x128xi32, #tpu.memory_space<vmem>> -> memref<1x128xi32, #tpu.memory_space<vmem>>
    %dma_wait3A_114 = tpu.memref_squeeze %dma_wait3A_113 : memref<1x128xi32, #tpu.memory_space<vmem>> -> memref<128xi32, #tpu.memory_space<vmem>>
    %dma_wait3A_115 = arith.constant 0 : i32
    %dma_wait3A_116 = arith.constant 0 : i32
    %dma_wait3A_117 = tpu.memref_slice %arg2[%dma_wait3A_115, %dma_wait3A_116] : memref<12544x128xf32, #tpu.memory_space<hbm>> -> memref<12544x128xf32, #tpu.memory_space<hbm>>
    tpu.wait_indirect_dma semaphore(%arg7 : memref<!tpu.dma_semaphore, #tpu.memory_space<semaphore_mem>>) src(%dma_wait3A_117 : memref<12544x128xf32, #tpu.memory_space<hbm>>) dst(%dma_wait3A_111 : memref<128x128xf32, #tpu.memory_space<vmem>>)
    %dma_wait3A_118 = arith.constant 5 : i32
    %dma_wait3A_119 = arith.constant 640 : i32
    %dma_wait3A_120 = arith.constant 0 : i32
    %dma_wait3A_121 = tpu.memref_slice %arg6[%dma_wait3A_119, %dma_wait3A_120] : memref<896x128xf32, #tpu.memory_space<vmem>> -> memref<128x128xf32, #tpu.memory_space<vmem>>
    %dma_wait3A_122 = arith.constant 0 : i32
    %dma_wait3A_123 = tpu.memref_slice %arg5[%dma_wait3A_118, %dma_wait3A_122] : memref<7x128xi32, #tpu.memory_space<vmem>> -> memref<1x128xi32, #tpu.memory_space<vmem>>
    %dma_wait3A_124 = tpu.memref_squeeze %dma_wait3A_123 : memref<1x128xi32, #tpu.memory_space<vmem>> -> memref<128xi32, #tpu.memory_space<vmem>>
    %dma_wait3A_125 = arith.constant 0 : i32
    %dma_wait3A_126 = arith.constant 0 : i32
    %dma_wait3A_127 = tpu.memref_slice %arg2[%dma_wait3A_125, %dma_wait3A_126] : memref<12544x128xf32, #tpu.memory_space<hbm>> -> memref<12544x128xf32, #tpu.memory_space<hbm>>
    tpu.wait_indirect_dma semaphore(%arg7 : memref<!tpu.dma_semaphore, #tpu.memory_space<semaphore_mem>>) src(%dma_wait3A_127 : memref<12544x128xf32, #tpu.memory_space<hbm>>) dst(%dma_wait3A_121 : memref<128x128xf32, #tpu.memory_space<vmem>>)
    %dma_wait3A_128 = arith.constant 6 : i32
    %dma_wait3A_129 = arith.constant 768 : i32
    %dma_wait3A_130 = arith.constant 0 : i32
    %dma_wait3A_131 = tpu.memref_slice %arg6[%dma_wait3A_129, %dma_wait3A_130] : memref<896x128xf32, #tpu.memory_space<vmem>> -> memref<128x128xf32, #tpu.memory_space<vmem>>
    %dma_wait3A_132 = arith.constant 0 : i32
    %dma_wait3A_133 = tpu.memref_slice %arg5[%dma_wait3A_128, %dma_wait3A_132] : memref<7x128xi32, #tpu.memory_space<vmem>> -> memref<1x128xi32, #tpu.memory_space<vmem>>
    %dma_wait3A_134 = tpu.memref_squeeze %dma_wait3A_133 : memref<1x128xi32, #tpu.memory_space<vmem>> -> memref<128xi32, #tpu.memory_space<vmem>>
    %dma_wait3A_135 = arith.constant 0 : i32
    %dma_wait3A_136 = arith.constant 0 : i32
    %dma_wait3A_137 = tpu.memref_slice %arg2[%dma_wait3A_135, %dma_wait3A_136] : memref<12544x128xf32, #tpu.memory_space<hbm>> -> memref<12544x128xf32, #tpu.memory_space<hbm>>
    tpu.wait_indirect_dma semaphore(%arg7 : memref<!tpu.dma_semaphore, #tpu.memory_space<semaphore_mem>>) src(%dma_wait3A_137 : memref<12544x128xf32, #tpu.memory_space<hbm>>) dst(%dma_wait3A_131 : memref<128x128xf32, #tpu.memory_space<vmem>>)
    "tpu.region"() ({
      %run_scoped3A = tpu.sem_alloc : memref<!tpu.dma_semaphore, #tpu.memory_space<semaphore_mem>>
      %dma_start3A_138 = arith.constant 0 : i32
      %dma_start3A_139 = arith.constant 0 : i32
      %dma_start3A_140 = tpu.memref_slice %arg4[%arg0, %arg1, %dma_start3A_138, %dma_start3A_139] : memref<2x16x896x128xf32, #tpu.memory_space<hbm>> -> memref<1x1x896x128xf32, #tpu.memory_space<hbm>>
      %dma_start3A_141 = tpu.memref_squeeze %dma_start3A_140 : memref<1x1x896x128xf32, #tpu.memory_space<hbm>> -> memref<896x128xf32, #tpu.memory_space<hbm>>
      %dma_start3A_142 = arith.constant 0 : i32
      %dma_start3A_143 = arith.constant 0 : i32
      %dma_start3A_144 = tpu.memref_slice %arg4[%arg0, %arg1, %dma_start3A_142, %dma_start3A_143] : memref<2x16x896x128xf32, #tpu.memory_space<hbm>> -> memref<1x1x896x128xf32, #tpu.memory_space<hbm>>
      %dma_start3A_145 = tpu.memref_squeeze %dma_start3A_144 : memref<1x1x896x128xf32, #tpu.memory_space<hbm>> -> memref<896x128xf32, #tpu.memory_space<hbm>>
      tpu.enqueue_dma source(%arg6 : memref<896x128xf32, #tpu.memory_space<vmem>>) target(%dma_start3A_145 : memref<896x128xf32, #tpu.memory_space<hbm>>) target_semaphore(%run_scoped3A : memref<!tpu.dma_semaphore, #tpu.memory_space<semaphore_mem>>)
      %dma_wait3A_146 = arith.constant 0 : i32
      %dma_wait3A_147 = arith.constant 0 : i32
      %dma_wait3A_148 = tpu.memref_slice %arg4[%arg0, %arg1, %dma_wait3A_146, %dma_wait3A_147] : memref<2x16x896x128xf32, #tpu.memory_space<hbm>> -> memref<1x1x896x128xf32, #tpu.memory_space<hbm>>
      %dma_wait3A_149 = tpu.memref_squeeze %dma_wait3A_148 : memref<1x1x896x128xf32, #tpu.memory_space<hbm>> -> memref<896x128xf32, #tpu.memory_space<hbm>>
      %dma_wait3A_150 = arith.constant 0 : i32
      %dma_wait3A_151 = arith.constant 0 : i32
      %dma_wait3A_152 = tpu.memref_slice %arg4[%arg0, %arg1, %dma_wait3A_150, %dma_wait3A_151] : memref<2x16x896x128xf32, #tpu.memory_space<hbm>> -> memref<1x1x896x128xf32, #tpu.memory_space<hbm>>
      %dma_wait3A_153 = tpu.memref_squeeze %dma_wait3A_152 : memref<1x1x896x128xf32, #tpu.memory_space<hbm>> -> memref<896x128xf32, #tpu.memory_space<hbm>>
      tpu.wait_dma2 semaphore(%run_scoped3A : memref<!tpu.dma_semaphore, #tpu.memory_space<semaphore_mem>>) src(%arg6 : memref<896x128xf32, #tpu.memory_space<vmem>>) dst(%dma_wait3A_153 : memref<896x128xf32, #tpu.memory_space<hbm>>)
      tpu.yield
    }) : () -> ()
    return
  }
}

#map = affine_map<(d0, d1) -> (0, 0)>
#map1 = affine_map<(d0, d1) -> (0, 0, 0, 0)>
module attributes {stable_mosaic.version = 14 : i64} {
  func.func @_gather_body(%arg0: i32, %arg1: i32, %arg2: memref<12544x128xf32, #tpu.memory_space<hbm>>, %arg3: memref<2x16x7x128xi32, #tpu.memory_space<hbm>>, %arg4: memref<2x16x896x128xf32, #tpu.memory_space<hbm>>, %arg5: memref<7x128xi32, #tpu.memory_space<vmem>>, %arg6: memref<896x128xf32, #tpu.memory_space<vmem>>, %arg7: memref<!tpu.dma_semaphore, #tpu.memory_space<semaphore_mem>>) attributes {dimension_semantics = [#tpu.dimension_semantics<core_parallel>, #tpu.dimension_semantics<subcore_parallel>], iteration_bounds = array<i64: 2, 16>, scalar_prefetch = 0 : i64, scratch_operands = 3 : i64, tpu.core_type = #tpu.core_type<sc_vector_subcore>, window_params = [{transform_indices = #map}, {transform_indices = #map1}, {transform_indices = #map1}]} {
    "tpu.region"() ({
      %run_scoped3A = tpu.sem_alloc : memref<!tpu.dma_semaphore, #tpu.memory_space<semaphore_mem>>
      %dma_start3A_138 = arith.constant 0 : i32
      %dma_start3A_139 = arith.constant 0 : i32
      %dma_start3A_140 = tpu.memref_slice %arg3[%arg0, %arg1, %dma_start3A_138, %dma_start3A_139] : memref<2x16x7x128xi32, #tpu.memory_space<hbm>> -> memref<1x1x7x128xi32, #tpu.memory_space<hbm>>
      %dma_start3A_141 = tpu.memref_squeeze %dma_start3A_140 : memref<1x1x7x128xi32, #tpu.memory_space<hbm>> -> memref<7x128xi32, #tpu.memory_space<hbm>>
      %dma_start3A_142 = arith.constant 0 : i32
      %dma_start3A_143 = arith.constant 0 : i32
      %dma_start3A_144 = tpu.memref_slice %arg3[%arg0, %arg1, %dma_start3A_142, %dma_start3A_143] : memref<2x16x7x128xi32, #tpu.memory_space<hbm>> -> memref<1x1x7x128xi32, #tpu.memory_space<hbm>>
      %dma_start3A_145 = tpu.memref_squeeze %dma_start3A_144 : memref<1x1x7x128xi32, #tpu.memory_space<hbm>> -> memref<7x128xi32, #tpu.memory_space<hbm>>
      tpu.enqueue_dma source(%dma_start3A_145 : memref<7x128xi32, #tpu.memory_space<hbm>>) target(%arg5 : memref<7x128xi32, #tpu.memory_space<vmem>>) target_semaphore(%run_scoped3A : memref<!tpu.dma_semaphore, #tpu.memory_space<semaphore_mem>>)
      %dma_wait3A_146 = arith.constant 0 : i32
      %dma_wait3A_147 = arith.constant 0 : i32
      %dma_wait3A_148 = tpu.memref_slice %arg3[%arg0, %arg1, %dma_wait3A_146, %dma_wait3A_147] : memref<2x16x7x128xi32, #tpu.memory_space<hbm>> -> memref<1x1x7x128xi32, #tpu.memory_space<hbm>>
      %dma_wait3A_149 = tpu.memref_squeeze %dma_wait3A_148 : memref<1x1x7x128xi32, #tpu.memory_space<hbm>> -> memref<7x128xi32, #tpu.memory_space<hbm>>
      %dma_wait3A_150 = arith.constant 0 : i32
      %dma_wait3A_151 = arith.constant 0 : i32
      %dma_wait3A_152 = tpu.memref_slice %arg3[%arg0, %arg1, %dma_wait3A_150, %dma_wait3A_151] : memref<2x16x7x128xi32, #tpu.memory_space<hbm>> -> memref<1x1x7x128xi32, #tpu.memory_space<hbm>>
      %dma_wait3A_153 = tpu.memref_squeeze %dma_wait3A_152 : memref<1x1x7x128xi32, #tpu.memory_space<hbm>> -> memref<7x128xi32, #tpu.memory_space<hbm>>
      tpu.wait_dma2 semaphore(%run_scoped3A : memref<!tpu.dma_semaphore, #tpu.memory_space<semaphore_mem>>) src(%dma_wait3A_153 : memref<7x128xi32, #tpu.memory_space<hbm>>) dst(%arg5 : memref<7x128xi32, #tpu.memory_space<vmem>>)
      tpu.yield
    }) : () -> ()
    %dma_start3A = arith.constant 0 : i32
    %dma_start3A_0 = arith.constant 0 : i32
    %dma_start3A_1 = arith.constant 0 : i32
    %dma_start3A_2 = tpu.memref_slice %arg6[%dma_start3A_0, %dma_start3A_1] : memref<896x128xf32, #tpu.memory_space<vmem>> -> memref<128x128xf32, #tpu.memory_space<vmem>>
    %dma_start3A_3 = arith.constant 0 : i32
    %dma_start3A_4 = tpu.memref_slice %arg5[%dma_start3A, %dma_start3A_3] : memref<7x128xi32, #tpu.memory_space<vmem>> -> memref<1x128xi32, #tpu.memory_space<vmem>>
    %dma_start3A_5 = tpu.memref_squeeze %dma_start3A_4 : memref<1x128xi32, #tpu.memory_space<vmem>> -> memref<128xi32, #tpu.memory_space<vmem>>
    %dma_start3A_6 = arith.constant 0 : i32
    %dma_start3A_7 = arith.constant 0 : i32
    %dma_start3A_8 = tpu.memref_slice %arg2[%dma_start3A_6, %dma_start3A_7] : memref<12544x128xf32, #tpu.memory_space<hbm>> -> memref<12544x128xf32, #tpu.memory_space<hbm>>
    tpu.enqueue_indirect_dma source(%dma_start3A_8 : memref<12544x128xf32, #tpu.memory_space<hbm>>) target(%dma_start3A_2 : memref<128x128xf32, #tpu.memory_space<vmem>>) offsets(%dma_start3A_5 : memref<128xi32, #tpu.memory_space<vmem>>) semaphore(%arg7 : memref<!tpu.dma_semaphore, #tpu.memory_space<semaphore_mem>>)
    %dma_start3A_9 = arith.constant 1 : i32
    %dma_start3A_10 = arith.constant 128 : i32
    %dma_start3A_11 = arith.constant 0 : i32
    %dma_start3A_12 = tpu.memref_slice %arg6[%dma_start3A_10, %dma_start3A_11] : memref<896x128xf32, #tpu.memory_space<vmem>> -> memref<128x128xf32, #tpu.memory_space<vmem>>
    %dma_start3A_13 = arith.constant 0 : i32
    %dma_start3A_14 = tpu.memref_slice %arg5[%dma_start3A_9, %dma_start3A_13] : memref<7x128xi32, #tpu.memory_space<vmem>> -> memref<1x128xi32, #tpu.memory_space<vmem>>
    %dma_start3A_15 = tpu.memref_squeeze %dma_start3A_14 : memref<1x128xi32, #tpu.memory_space<vmem>> -> memref<128xi32, #tpu.memory_space<vmem>>
    %dma_start3A_16 = arith.constant 0 : i32
    %dma_start3A_17 = arith.constant 0 : i32
    %dma_start3A_18 = tpu.memref_slice %arg2[%dma_start3A_16, %dma_start3A_17] : memref<12544x128xf32, #tpu.memory_space<hbm>> -> memref<12544x128xf32, #tpu.memory_space<hbm>>
    tpu.enqueue_indirect_dma source(%dma_start3A_18 : memref<12544x128xf32, #tpu.memory_space<hbm>>) target(%dma_start3A_12 : memref<128x128xf32, #tpu.memory_space<vmem>>) offsets(%dma_start3A_15 : memref<128xi32, #tpu.memory_space<vmem>>) semaphore(%arg7 : memref<!tpu.dma_semaphore, #tpu.memory_space<semaphore_mem>>)
    %dma_start3A_19 = arith.constant 2 : i32
    %dma_start3A_20 = arith.constant 256 : i32
    %dma_start3A_21 = arith.constant 0 : i32
    %dma_start3A_22 = tpu.memref_slice %arg6[%dma_start3A_20, %dma_start3A_21] : memref<896x128xf32, #tpu.memory_space<vmem>> -> memref<128x128xf32, #tpu.memory_space<vmem>>
    %dma_start3A_23 = arith.constant 0 : i32
    %dma_start3A_24 = tpu.memref_slice %arg5[%dma_start3A_19, %dma_start3A_23] : memref<7x128xi32, #tpu.memory_space<vmem>> -> memref<1x128xi32, #tpu.memory_space<vmem>>
    %dma_start3A_25 = tpu.memref_squeeze %dma_start3A_24 : memref<1x128xi32, #tpu.memory_space<vmem>> -> memref<128xi32, #tpu.memory_space<vmem>>
    %dma_start3A_26 = arith.constant 0 : i32
    %dma_start3A_27 = arith.constant 0 : i32
    %dma_start3A_28 = tpu.memref_slice %arg2[%dma_start3A_26, %dma_start3A_27] : memref<12544x128xf32, #tpu.memory_space<hbm>> -> memref<12544x128xf32, #tpu.memory_space<hbm>>
    tpu.enqueue_indirect_dma source(%dma_start3A_28 : memref<12544x128xf32, #tpu.memory_space<hbm>>) target(%dma_start3A_22 : memref<128x128xf32, #tpu.memory_space<vmem>>) offsets(%dma_start3A_25 : memref<128xi32, #tpu.memory_space<vmem>>) semaphore(%arg7 : memref<!tpu.dma_semaphore, #tpu.memory_space<semaphore_mem>>)
    %dma_start3A_29 = arith.constant 3 : i32
    %dma_start3A_30 = arith.constant 384 : i32
    %dma_start3A_31 = arith.constant 0 : i32
    %dma_start3A_32 = tpu.memref_slice %arg6[%dma_start3A_30, %dma_start3A_31] : memref<896x128xf32, #tpu.memory_space<vmem>> -> memref<128x128xf32, #tpu.memory_space<vmem>>
    %dma_start3A_33 = arith.constant 0 : i32
    %dma_start3A_34 = tpu.memref_slice %arg5[%dma_start3A_29, %dma_start3A_33] : memref<7x128xi32, #tpu.memory_space<vmem>> -> memref<1x128xi32, #tpu.memory_space<vmem>>
    %dma_start3A_35 = tpu.memref_squeeze %dma_start3A_34 : memref<1x128xi32, #tpu.memory_space<vmem>> -> memref<128xi32, #tpu.memory_space<vmem>>
    %dma_start3A_36 = arith.constant 0 : i32
    %dma_start3A_37 = arith.constant 0 : i32
    %dma_start3A_38 = tpu.memref_slice %arg2[%dma_start3A_36, %dma_start3A_37] : memref<12544x128xf32, #tpu.memory_space<hbm>> -> memref<12544x128xf32, #tpu.memory_space<hbm>>
    tpu.enqueue_indirect_dma source(%dma_start3A_38 : memref<12544x128xf32, #tpu.memory_space<hbm>>) target(%dma_start3A_32 : memref<128x128xf32, #tpu.memory_space<vmem>>) offsets(%dma_start3A_35 : memref<128xi32, #tpu.memory_space<vmem>>) semaphore(%arg7 : memref<!tpu.dma_semaphore, #tpu.memory_space<semaphore_mem>>)
    %dma_start3A_39 = arith.constant 4 : i32
    %dma_start3A_40 = arith.constant 512 : i32
    %dma_start3A_41 = arith.constant 0 : i32
    %dma_start3A_42 = tpu.memref_slice %arg6[%dma_start3A_40, %dma_start3A_41] : memref<896x128xf32, #tpu.memory_space<vmem>> -> memref<128x128xf32, #tpu.memory_space<vmem>>
    %dma_start3A_43 = arith.constant 0 : i32
    %dma_start3A_44 = tpu.memref_slice %arg5[%dma_start3A_39, %dma_start3A_43] : memref<7x128xi32, #tpu.memory_space<vmem>> -> memref<1x128xi32, #tpu.memory_space<vmem>>
    %dma_start3A_45 = tpu.memref_squeeze %dma_start3A_44 : memref<1x128xi32, #tpu.memory_space<vmem>> -> memref<128xi32, #tpu.memory_space<vmem>>
    %dma_start3A_46 = arith.constant 0 : i32
    %dma_start3A_47 = arith.constant 0 : i32
    %dma_start3A_48 = tpu.memref_slice %arg2[%dma_start3A_46, %dma_start3A_47] : memref<12544x128xf32, #tpu.memory_space<hbm>> -> memref<12544x128xf32, #tpu.memory_space<hbm>>
    tpu.enqueue_indirect_dma source(%dma_start3A_48 : memref<12544x128xf32, #tpu.memory_space<hbm>>) target(%dma_start3A_42 : memref<128x128xf32, #tpu.memory_space<vmem>>) offsets(%dma_start3A_45 : memref<128xi32, #tpu.memory_space<vmem>>) semaphore(%arg7 : memref<!tpu.dma_semaphore, #tpu.memory_space<semaphore_mem>>)
    %dma_start3A_49 = arith.constant 5 : i32
    %dma_start3A_50 = arith.constant 640 : i32
    %dma_start3A_51 = arith.constant 0 : i32
    %dma_start3A_52 = tpu.memref_slice %arg6[%dma_start3A_50, %dma_start3A_51] : memref<896x128xf32, #tpu.memory_space<vmem>> -> memref<128x128xf32, #tpu.memory_space<vmem>>
    %dma_start3A_53 = arith.constant 0 : i32
    %dma_start3A_54 = tpu.memref_slice %arg5[%dma_start3A_49, %dma_start3A_53] : memref<7x128xi32, #tpu.memory_space<vmem>> -> memref<1x128xi32, #tpu.memory_space<vmem>>
    %dma_start3A_55 = tpu.memref_squeeze %dma_start3A_54 : memref<1x128xi32, #tpu.memory_space<vmem>> -> memref<128xi32, #tpu.memory_space<vmem>>
    %dma_start3A_56 = arith.constant 0 : i32
    %dma_start3A_57 = arith.constant 0 : i32
    %dma_start3A_58 = tpu.memref_slice %arg2[%dma_start3A_56, %dma_start3A_57] : memref<12544x128xf32, #tpu.memory_space<hbm>> -> memref<12544x128xf32, #tpu.memory_space<hbm>>
    tpu.enqueue_indirect_dma source(%dma_start3A_58 : memref<12544x128xf32, #tpu.memory_space<hbm>>) target(%dma_start3A_52 : memref<128x128xf32, #tpu.memory_space<vmem>>) offsets(%dma_start3A_55 : memref<128xi32, #tpu.memory_space<vmem>>) semaphore(%arg7 : memref<!tpu.dma_semaphore, #tpu.memory_space<semaphore_mem>>)
    %dma_start3A_59 = arith.constant 6 : i32
    %dma_start3A_60 = arith.constant 768 : i32
    %dma_start3A_61 = arith.constant 0 : i32
    %dma_start3A_62 = tpu.memref_slice %arg6[%dma_start3A_60, %dma_start3A_61] : memref<896x128xf32, #tpu.memory_space<vmem>> -> memref<128x128xf32, #tpu.memory_space<vmem>>
    %dma_start3A_63 = arith.constant 0 : i32
    %dma_start3A_64 = tpu.memref_slice %arg5[%dma_start3A_59, %dma_start3A_63] : memref<7x128xi32, #tpu.memory_space<vmem>> -> memref<1x128xi32, #tpu.memory_space<vmem>>
    %dma_start3A_65 = tpu.memref_squeeze %dma_start3A_64 : memref<1x128xi32, #tpu.memory_space<vmem>> -> memref<128xi32, #tpu.memory_space<vmem>>
    %dma_start3A_66 = arith.constant 0 : i32
    %dma_start3A_67 = arith.constant 0 : i32
    %dma_start3A_68 = tpu.memref_slice %arg2[%dma_start3A_66, %dma_start3A_67] : memref<12544x128xf32, #tpu.memory_space<hbm>> -> memref<12544x128xf32, #tpu.memory_space<hbm>>
    tpu.enqueue_indirect_dma source(%dma_start3A_68 : memref<12544x128xf32, #tpu.memory_space<hbm>>) target(%dma_start3A_62 : memref<128x128xf32, #tpu.memory_space<vmem>>) offsets(%dma_start3A_65 : memref<128xi32, #tpu.memory_space<vmem>>) semaphore(%arg7 : memref<!tpu.dma_semaphore, #tpu.memory_space<semaphore_mem>>)
    %dma_wait3A = arith.constant 0 : i32
    %dma_wait3A_69 = arith.constant 0 : i32
    %dma_wait3A_70 = arith.constant 0 : i32
    %dma_wait3A_71 = tpu.memref_slice %arg6[%dma_wait3A_69, %dma_wait3A_70] : memref<896x128xf32, #tpu.memory_space<vmem>> -> memref<128x128xf32, #tpu.memory_space<vmem>>
    %dma_wait3A_72 = arith.constant 0 : i32
    %dma_wait3A_73 = tpu.memref_slice %arg5[%dma_wait3A, %dma_wait3A_72] : memref<7x128xi32, #tpu.memory_space<vmem>> -> memref<1x128xi32, #tpu.memory_space<vmem>>
    %dma_wait3A_74 = tpu.memref_squeeze %dma_wait3A_73 : memref<1x128xi32, #tpu.memory_space<vmem>> -> memref<128xi32, #tpu.memory_space<vmem>>
    %dma_wait3A_75 = arith.constant 0 : i32
    %dma_wait3A_76 = arith.constant 0 : i32
    %dma_wait3A_77 = tpu.memref_slice %arg2[%dma_wait3A_75, %dma_wait3A_76] : memref<12544x128xf32, #tpu.memory_space<hbm>> -> memref<12544x128xf32, #tpu.memory_space<hbm>>
    tpu.wait_indirect_dma semaphore(%arg7 : memref<!tpu.dma_semaphore, #tpu.memory_space<semaphore_mem>>) src(%dma_wait3A_77 : memref<12544x128xf32, #tpu.memory_space<hbm>>) dst(%dma_wait3A_71 : memref<128x128xf32, #tpu.memory_space<vmem>>)
    %dma_wait3A_78 = arith.constant 1 : i32
    %dma_wait3A_79 = arith.constant 128 : i32
    %dma_wait3A_80 = arith.constant 0 : i32
    %dma_wait3A_81 = tpu.memref_slice %arg6[%dma_wait3A_79, %dma_wait3A_80] : memref<896x128xf32, #tpu.memory_space<vmem>> -> memref<128x128xf32, #tpu.memory_space<vmem>>
    %dma_wait3A_82 = arith.constant 0 : i32
    %dma_wait3A_83 = tpu.memref_slice %arg5[%dma_wait3A_78, %dma_wait3A_82] : memref<7x128xi32, #tpu.memory_space<vmem>> -> memref<1x128xi32, #tpu.memory_space<vmem>>
    %dma_wait3A_84 = tpu.memref_squeeze %dma_wait3A_83 : memref<1x128xi32, #tpu.memory_space<vmem>> -> memref<128xi32, #tpu.memory_space<vmem>>
    %dma_wait3A_85 = arith.constant 0 : i32
    %dma_wait3A_86 = arith.constant 0 : i32
    %dma_wait3A_87 = tpu.memref_slice %arg2[%dma_wait3A_85, %dma_wait3A_86] : memref<12544x128xf32, #tpu.memory_space<hbm>> -> memref<12544x128xf32, #tpu.memory_space<hbm>>
    tpu.wait_indirect_dma semaphore(%arg7 : memref<!tpu.dma_semaphore, #tpu.memory_space<semaphore_mem>>) src(%dma_wait3A_87 : memref<12544x128xf32, #tpu.memory_space<hbm>>) dst(%dma_wait3A_81 : memref<128x128xf32, #tpu.memory_space<vmem>>)
    %dma_wait3A_88 = arith.constant 2 : i32
    %dma_wait3A_89 = arith.constant 256 : i32
    %dma_wait3A_90 = arith.constant 0 : i32
    %dma_wait3A_91 = tpu.memref_slice %arg6[%dma_wait3A_89, %dma_wait3A_90] : memref<896x128xf32, #tpu.memory_space<vmem>> -> memref<128x128xf32, #tpu.memory_space<vmem>>
    %dma_wait3A_92 = arith.constant 0 : i32
    %dma_wait3A_93 = tpu.memref_slice %arg5[%dma_wait3A_88, %dma_wait3A_92] : memref<7x128xi32, #tpu.memory_space<vmem>> -> memref<1x128xi32, #tpu.memory_space<vmem>>
    %dma_wait3A_94 = tpu.memref_squeeze %dma_wait3A_93 : memref<1x128xi32, #tpu.memory_space<vmem>> -> memref<128xi32, #tpu.memory_space<vmem>>
    %dma_wait3A_95 = arith.constant 0 : i32
    %dma_wait3A_96 = arith.constant 0 : i32
    %dma_wait3A_97 = tpu.memref_slice %arg2[%dma_wait3A_95, %dma_wait3A_96] : memref<12544x128xf32, #tpu.memory_space<hbm>> -> memref<12544x128xf32, #tpu.memory_space<hbm>>
    tpu.wait_indirect_dma semaphore(%arg7 : memref<!tpu.dma_semaphore, #tpu.memory_space<semaphore_mem>>) src(%dma_wait3A_97 : memref<12544x128xf32, #tpu.memory_space<hbm>>) dst(%dma_wait3A_91 : memref<128x128xf32, #tpu.memory_space<vmem>>)
    %dma_wait3A_98 = arith.constant 3 : i32
    %dma_wait3A_99 = arith.constant 384 : i32
    %dma_wait3A_100 = arith.constant 0 : i32
    %dma_wait3A_101 = tpu.memref_slice %arg6[%dma_wait3A_99, %dma_wait3A_100] : memref<896x128xf32, #tpu.memory_space<vmem>> -> memref<128x128xf32, #tpu.memory_space<vmem>>
    %dma_wait3A_102 = arith.constant 0 : i32
    %dma_wait3A_103 = tpu.memref_slice %arg5[%dma_wait3A_98, %dma_wait3A_102] : memref<7x128xi32, #tpu.memory_space<vmem>> -> memref<1x128xi32, #tpu.memory_space<vmem>>
    %dma_wait3A_104 = tpu.memref_squeeze %dma_wait3A_103 : memref<1x128xi32, #tpu.memory_space<vmem>> -> memref<128xi32, #tpu.memory_space<vmem>>
    %dma_wait3A_105 = arith.constant 0 : i32
    %dma_wait3A_106 = arith.constant 0 : i32
    %dma_wait3A_107 = tpu.memref_slice %arg2[%dma_wait3A_105, %dma_wait3A_106] : memref<12544x128xf32, #tpu.memory_space<hbm>> -> memref<12544x128xf32, #tpu.memory_space<hbm>>
    tpu.wait_indirect_dma semaphore(%arg7 : memref<!tpu.dma_semaphore, #tpu.memory_space<semaphore_mem>>) src(%dma_wait3A_107 : memref<12544x128xf32, #tpu.memory_space<hbm>>) dst(%dma_wait3A_101 : memref<128x128xf32, #tpu.memory_space<vmem>>)
    %dma_wait3A_108 = arith.constant 4 : i32
    %dma_wait3A_109 = arith.constant 512 : i32
    %dma_wait3A_110 = arith.constant 0 : i32
    %dma_wait3A_111 = tpu.memref_slice %arg6[%dma_wait3A_109, %dma_wait3A_110] : memref<896x128xf32, #tpu.memory_space<vmem>> -> memref<128x128xf32, #tpu.memory_space<vmem>>
    %dma_wait3A_112 = arith.constant 0 : i32
    %dma_wait3A_113 = tpu.memref_slice %arg5[%dma_wait3A_108, %dma_wait3A_112] : memref<7x128xi32, #tpu.memory_space<vmem>> -> memref<1x128xi32, #tpu.memory_space<vmem>>
    %dma_wait3A_114 = tpu.memref_squeeze %dma_wait3A_113 : memref<1x128xi32, #tpu.memory_space<vmem>> -> memref<128xi32, #tpu.memory_space<vmem>>
    %dma_wait3A_115 = arith.constant 0 : i32
    %dma_wait3A_116 = arith.constant 0 : i32
    %dma_wait3A_117 = tpu.memref_slice %arg2[%dma_wait3A_115, %dma_wait3A_116] : memref<12544x128xf32, #tpu.memory_space<hbm>> -> memref<12544x128xf32, #tpu.memory_space<hbm>>
    tpu.wait_indirect_dma semaphore(%arg7 : memref<!tpu.dma_semaphore, #tpu.memory_space<semaphore_mem>>) src(%dma_wait3A_117 : memref<12544x128xf32, #tpu.memory_space<hbm>>) dst(%dma_wait3A_111 : memref<128x128xf32, #tpu.memory_space<vmem>>)
    %dma_wait3A_118 = arith.constant 5 : i32
    %dma_wait3A_119 = arith.constant 640 : i32
    %dma_wait3A_120 = arith.constant 0 : i32
    %dma_wait3A_121 = tpu.memref_slice %arg6[%dma_wait3A_119, %dma_wait3A_120] : memref<896x128xf32, #tpu.memory_space<vmem>> -> memref<128x128xf32, #tpu.memory_space<vmem>>
    %dma_wait3A_122 = arith.constant 0 : i32
    %dma_wait3A_123 = tpu.memref_slice %arg5[%dma_wait3A_118, %dma_wait3A_122] : memref<7x128xi32, #tpu.memory_space<vmem>> -> memref<1x128xi32, #tpu.memory_space<vmem>>
    %dma_wait3A_124 = tpu.memref_squeeze %dma_wait3A_123 : memref<1x128xi32, #tpu.memory_space<vmem>> -> memref<128xi32, #tpu.memory_space<vmem>>
    %dma_wait3A_125 = arith.constant 0 : i32
    %dma_wait3A_126 = arith.constant 0 : i32
    %dma_wait3A_127 = tpu.memref_slice %arg2[%dma_wait3A_125, %dma_wait3A_126] : memref<12544x128xf32, #tpu.memory_space<hbm>> -> memref<12544x128xf32, #tpu.memory_space<hbm>>
    tpu.wait_indirect_dma semaphore(%arg7 : memref<!tpu.dma_semaphore, #tpu.memory_space<semaphore_mem>>) src(%dma_wait3A_127 : memref<12544x128xf32, #tpu.memory_space<hbm>>) dst(%dma_wait3A_121 : memref<128x128xf32, #tpu.memory_space<vmem>>)
    %dma_wait3A_128 = arith.constant 6 : i32
    %dma_wait3A_129 = arith.constant 768 : i32
    %dma_wait3A_130 = arith.constant 0 : i32
    %dma_wait3A_131 = tpu.memref_slice %arg6[%dma_wait3A_129, %dma_wait3A_130] : memref<896x128xf32, #tpu.memory_space<vmem>> -> memref<128x128xf32, #tpu.memory_space<vmem>>
    %dma_wait3A_132 = arith.constant 0 : i32
    %dma_wait3A_133 = tpu.memref_slice %arg5[%dma_wait3A_128, %dma_wait3A_132] : memref<7x128xi32, #tpu.memory_space<vmem>> -> memref<1x128xi32, #tpu.memory_space<vmem>>
    %dma_wait3A_134 = tpu.memref_squeeze %dma_wait3A_133 : memref<1x128xi32, #tpu.memory_space<vmem>> -> memref<128xi32, #tpu.memory_space<vmem>>
    %dma_wait3A_135 = arith.constant 0 : i32
    %dma_wait3A_136 = arith.constant 0 : i32
    %dma_wait3A_137 = tpu.memref_slice %arg2[%dma_wait3A_135, %dma_wait3A_136] : memref<12544x128xf32, #tpu.memory_space<hbm>> -> memref<12544x128xf32, #tpu.memory_space<hbm>>
    tpu.wait_indirect_dma semaphore(%arg7 : memref<!tpu.dma_semaphore, #tpu.memory_space<semaphore_mem>>) src(%dma_wait3A_137 : memref<12544x128xf32, #tpu.memory_space<hbm>>) dst(%dma_wait3A_131 : memref<128x128xf32, #tpu.memory_space<vmem>>)
    "tpu.region"() ({
      %run_scoped3A = tpu.sem_alloc : memref<!tpu.dma_semaphore, #tpu.memory_space<semaphore_mem>>
      %dma_start3A_138 = arith.constant 0 : i32
      %dma_start3A_139 = arith.constant 0 : i32
      %dma_start3A_140 = tpu.memref_slice %arg4[%arg0, %arg1, %dma_start3A_138, %dma_start3A_139] : memref<2x16x896x128xf32, #tpu.memory_space<hbm>> -> memref<1x1x896x128xf32, #tpu.memory_space<hbm>>
      %dma_start3A_141 = tpu.memref_squeeze %dma_start3A_140 : memref<1x1x896x128xf32, #tpu.memory_space<hbm>> -> memref<896x128xf32, #tpu.memory_space<hbm>>
      %dma_start3A_142 = arith.constant 0 : i32
      %dma_start3A_143 = arith.constant 0 : i32
      %dma_start3A_144 = tpu.memref_slice %arg4[%arg0, %arg1, %dma_start3A_142, %dma_start3A_143] : memref<2x16x896x128xf32, #tpu.memory_space<hbm>> -> memref<1x1x896x128xf32, #tpu.memory_space<hbm>>
      %dma_start3A_145 = tpu.memref_squeeze %dma_start3A_144 : memref<1x1x896x128xf32, #tpu.memory_space<hbm>> -> memref<896x128xf32, #tpu.memory_space<hbm>>
      tpu.enqueue_dma source(%arg6 : memref<896x128xf32, #tpu.memory_space<vmem>>) target(%dma_start3A_145 : memref<896x128xf32, #tpu.memory_space<hbm>>) target_semaphore(%run_scoped3A : memref<!tpu.dma_semaphore, #tpu.memory_space<semaphore_mem>>)
      %dma_wait3A_146 = arith.constant 0 : i32
      %dma_wait3A_147 = arith.constant 0 : i32
      %dma_wait3A_148 = tpu.memref_slice %arg4[%arg0, %arg1, %dma_wait3A_146, %dma_wait3A_147] : memref<2x16x896x128xf32, #tpu.memory_space<hbm>> -> memref<1x1x896x128xf32, #tpu.memory_space<hbm>>
      %dma_wait3A_149 = tpu.memref_squeeze %dma_wait3A_148 : memref<1x1x896x128xf32, #tpu.memory_space<hbm>> -> memref<896x128xf32, #tpu.memory_space<hbm>>
      %dma_wait3A_150 = arith.constant 0 : i32
      %dma_wait3A_151 = arith.constant 0 : i32
      %dma_wait3A_152 = tpu.memref_slice %arg4[%arg0, %arg1, %dma_wait3A_150, %dma_wait3A_151] : memref<2x16x896x128xf32, #tpu.memory_space<hbm>> -> memref<1x1x896x128xf32, #tpu.memory_space<hbm>>
      %dma_wait3A_153 = tpu.memref_squeeze %dma_wait3A_152 : memref<1x1x896x128xf32, #tpu.memory_space<hbm>> -> memref<896x128xf32, #tpu.memory_space<hbm>>
      tpu.wait_dma2 semaphore(%run_scoped3A : memref<!tpu.dma_semaphore, #tpu.memory_space<semaphore_mem>>) src(%arg6 : memref<896x128xf32, #tpu.memory_space<vmem>>) dst(%dma_wait3A_153 : memref<896x128xf32, #tpu.memory_space<hbm>>)
      tpu.yield
    }) : () -> ()
    return
  }
}

module attributes {stable_mosaic.version = 14 : i64} {
  func.func @_embed_body(%arg0: i32, %arg1: memref<1792x128xf32, #tpu.memory_space<vmem>>, %arg2: memref<128x128xbf16, #tpu.memory_space<vmem>>, %arg3: memref<1x128xbf16, #tpu.memory_space<vmem>>, %arg4: memref<1792x128xbf16, #tpu.memory_space<vmem>>) attributes {dimension_semantics = [#tpu.dimension_semantics<arbitrary>], iteration_bounds = array<i64: 28>, scalar_prefetch = 0 : i64, scratch_operands = 0 : i64, tpu.core_type = #tpu.core_type<tc>, window_params = [{transform_indices = @transform_0, window_bounds = array<i64: 1792, 128>}, {pipeline_mode = #tpu.pipeline_mode<synchronous>, transform_indices = @transform_1, window_bounds = array<i64: 128, 128>}, {pipeline_mode = #tpu.pipeline_mode<synchronous>, transform_indices = @transform_2, window_bounds = array<i64: 1, 128>}, {transform_indices = @transform_3, window_bounds = array<i64: 1792, 128>}]} {
    %get3A = arith.constant 0 : index
    %get3A_0 = arith.constant 0 : index
    %get3A_1 = vector.load %arg1[%get3A, %get3A_0] : memref<1792x128xf32, #tpu.memory_space<vmem>>, vector<1792x128xf32>
    %convert_element_type3A = arith.truncf %get3A_1 : vector<1792x128xf32> to vector<1792x128xbf16>
    %get3A_2 = arith.constant 0 : index
    %get3A_3 = arith.constant 0 : index
    %get3A_4 = vector.load %arg2[%get3A_2, %get3A_3] : memref<128x128xbf16, #tpu.memory_space<vmem>>, vector<128x128xbf16>
    %dot_general3A = arith.constant dense<0.000000e+00> : vector<1792x128xf32>
    %dot_general3A_5 = tpu.matmul %convert_element_type3A, %get3A_4, %dot_general3A {dimension_numbers = #tpu.dot_dimension_numbers<[1], [1], [0], [0], [0, 0, 1, 0], [], []>, transpose_lhs_hint = false} : vector<1792x128xbf16>, vector<128x128xbf16>, vector<1792x128xf32> -> vector<1792x128xf32>
    %convert_element_type3A_6 = arith.truncf %dot_general3A_5 : vector<1792x128xf32> to vector<1792x128xbf16>
    %get3A_7 = arith.constant 0 : index
    %get3A_8 = arith.constant 0 : index
    %get3A_9 = vector.load %arg3[%get3A_7, %get3A_8] : memref<1x128xbf16, #tpu.memory_space<vmem>>, vector<1x128xbf16>
    %add3A = vector.broadcast %get3A_9 : vector<1x128xbf16> to vector<1792x128xbf16>
    %add3A_10 = arith.addf %convert_element_type3A_6, %add3A : vector<1792x128xbf16>
    %tanh3A = math.tanh %add3A_10 : vector<1792x128xbf16>
    %swap3A = arith.constant 0 : index
    %swap3A_11 = arith.constant 0 : index
    %swap3A_12 = vector.load %arg4[%swap3A, %swap3A_11] : memref<1792x128xbf16, #tpu.memory_space<vmem>>, vector<1792x128xbf16>
    tpu.vector_store %arg4[%swap3A, %swap3A_11], %tanh3A {strides = array<i32>} : memref<1792x128xbf16, #tpu.memory_space<vmem>>, vector<1792x128xbf16>,
    return
  }
  func.func @transform_0(%arg0: i32) -> (i32, i32) {
    %c0_i32 = arith.constant 0 : i32
    %c0_i32_0 = arith.constant 0 : i32
    return %arg0, %c0_i32 : i32, i32
  }
  func.func @transform_1(%arg0: i32) -> (i32, i32) {
    %c0_i32 = arith.constant 0 : i32
    %c0_i32_0 = arith.constant 0 : i32
    %c0_i32_1 = arith.constant 0 : i32
    return %c0_i32, %c0_i32_0 : i32, i32
  }
  func.func @transform_2(%arg0: i32) -> (i32, i32) {
    %c0_i32 = arith.constant 0 : i32
    %c0_i32_0 = arith.constant 0 : i32
    %c0_i32_1 = arith.constant 0 : i32
    return %c0_i32, %c0_i32_0 : i32, i32
  }
  func.func @transform_3(%arg0: i32) -> (i32, i32) {
    %c0_i32 = arith.constant 0 : i32
    %c0_i32_0 = arith.constant 0 : i32
    return %arg0, %c0_i32 : i32, i32
  }
}

module attributes {stable_mosaic.version = 14 : i64} {
  func.func @_layer_body(%arg0: i32, %arg1: memref<1792x256xf32, #tpu.memory_space<vmem>>, %arg2: memref<1792x128xbf16, #tpu.memory_space<vmem>>, %arg3: memref<256x256xbf16, #tpu.memory_space<vmem>>, %arg4: memref<1x256xbf16, #tpu.memory_space<vmem>>, %arg5: memref<256x256xbf16, #tpu.memory_space<vmem>>, %arg6: memref<1x256xbf16, #tpu.memory_space<vmem>>, %arg7: memref<128x256xbf16, #tpu.memory_space<vmem>>, %arg8: memref<1x128xbf16, #tpu.memory_space<vmem>>, %arg9: memref<128x128xbf16, #tpu.memory_space<vmem>>, %arg10: memref<1x128xbf16, #tpu.memory_space<vmem>>, %arg11: memref<128x128xbf16, #tpu.memory_space<vmem>>, %arg12: memref<1x128xbf16, #tpu.memory_space<vmem>>, %arg13: memref<128x128xbf16, #tpu.memory_space<vmem>>, %arg14: memref<1x128xbf16, #tpu.memory_space<vmem>>, %arg15: memref<256x128xbf16, #tpu.memory_space<vmem>>, %arg16: memref<1x256xbf16, #tpu.memory_space<vmem>>, %arg17: memref<256x256xbf16, #tpu.memory_space<vmem>>, %arg18: memref<1x256xbf16, #tpu.memory_space<vmem>>, %arg19: memref<128x128xbf16, #tpu.memory_space<vmem>>, %arg20: memref<128x128xbf16, #tpu.memory_space<vmem>>, %arg21: memref<1x128xbf16, #tpu.memory_space<vmem>>, %arg22: memref<128x128xbf16, #tpu.memory_space<vmem>>, %arg23: memref<1x128xbf16, #tpu.memory_space<vmem>>, %arg24: memref<128x128xbf16, #tpu.memory_space<vmem>>, %arg25: memref<1x128xbf16, #tpu.memory_space<vmem>>, %arg26: memref<128x128xbf16, #tpu.memory_space<vmem>>, %arg27: memref<1x128xbf16, #tpu.memory_space<vmem>>, %arg28: memref<256x128xbf16, #tpu.memory_space<vmem>>, %arg29: memref<256x128xbf16, #tpu.memory_space<vmem>>, %arg30: memref<1x256xbf16, #tpu.memory_space<vmem>>, %arg31: memref<256x256xbf16, #tpu.memory_space<vmem>>, %arg32: memref<1x256xbf16, #tpu.memory_space<vmem>>, %arg33: memref<128x128xbf16, #tpu.memory_space<vmem>>, %arg34: memref<128x128xbf16, #tpu.memory_space<vmem>>, %arg35: memref<1x128xbf16, #tpu.memory_space<vmem>>, %arg36: memref<128x128xbf16, #tpu.memory_space<vmem>>, %arg37: memref<1x128xbf16, #tpu.memory_space<vmem>>, %arg38: memref<128x128xbf16, #tpu.memory_space<vmem>>, %arg39: memref<1x128xbf16, #tpu.memory_space<vmem>>, %arg40: memref<128x128xbf16, #tpu.memory_space<vmem>>, %arg41: memref<1x128xbf16, #tpu.memory_space<vmem>>, %arg42: memref<1792x128xf32, #tpu.memory_space<vmem>>) attributes {dimension_semantics = [#tpu.dimension_semantics<arbitrary>], iteration_bounds = array<i64: 7>, scalar_prefetch = 0 : i64, scratch_operands = 0 : i64, tpu.core_type = #tpu.core_type<tc>, window_params = [{transform_indices = @transform_0, window_bounds = array<i64: 1792, 256>}, {transform_indices = @transform_1, window_bounds = array<i64: 1792, 128>}, {pipeline_mode = #tpu.pipeline_mode<synchronous>, transform_indices = @transform_2, window_bounds = array<i64: 256, 256>}, {pipeline_mode = #tpu.pipeline_mode<synchronous>, transform_indices = @transform_3, window_bounds = array<i64: 1, 256>}, {pipeline_mode = #tpu.pipeline_mode<synchronous>, transform_indices = @transform_4, window_bounds = array<i64: 256, 256>}, {pipeline_mode = #tpu.pipeline_mode<synchronous>, transform_indices = @transform_5, window_bounds = array<i64: 1, 256>}, {pipeline_mode = #tpu.pipeline_mode<synchronous>, transform_indices = @transform_6, window_bounds = array<i64: 128, 256>}, {pipeline_mode = #tpu.pipeline_mode<synchronous>, transform_indices = @transform_7, window_bounds = array<i64: 1, 128>}, {pipeline_mode = #tpu.pipeline_mode<synchronous>, transform_indices = @transform_8, window_bounds = array<i64: 128, 128>}, {pipeline_mode = #tpu.pipeline_mode<synchronous>, transform_indices = @transform_9, window_bounds = array<i64: 1, 128>}, {pipeline_mode = #tpu.pipeline_mode<synchronous>, transform_indices = @transform_10, window_bounds = array<i64: 128, 128>}, {pipeline_mode = #tpu.pipeline_mode<synchronous>, transform_indices = @transform_11, window_bounds = array<i64: 1, 128>}, {pipeline_mode = #tpu.pipeline_mode<synchronous>, transform_indices = @transform_12, window_bounds = array<i64: 128, 128>}, {pipeline_mode = #tpu.pipeline_mode<synchronous>, transform_indices = @transform_13, window_bounds = array<i64: 1, 128>}, {pipeline_mode = #tpu.pipeline_mode<synchronous>, transform_indices = @transform_14, window_bounds = array<i64: 256, 128>}, {pipeline_mode = #tpu.pipeline_mode<synchronous>, transform_indices = @transform_15, window_bounds = array<i64: 1, 256>}, {pipeline_mode = #tpu.pipeline_mode<synchronous>, transform_indices = @transform_16, window_bounds = array<i64: 256, 256>}, {pipeline_mode = #tpu.pipeline_mode<synchronous>, transform_indices = @transform_17, window_bounds = array<i64: 1, 256>}, {pipeline_mode = #tpu.pipeline_mode<synchronous>, transform_indices = @transform_18, window_bounds = array<i64: 128, 128>}, {pipeline_mode = #tpu.pipeline_mode<synchronous>, transform_indices = @transform_19, window_bounds = array<i64: 128, 128>}, {pipeline_mode = #tpu.pipeline_mode<synchronous>, transform_indices = @transform_20, window_bounds = array<i64: 1, 128>}, {pipeline_mode = #tpu.pipeline_mode<synchronous>, transform_indices = @transform_21, window_bounds = array<i64: 128, 128>}, {pipeline_mode = #tpu.pipeline_mode<synchronous>, transform_indices = @transform_22, window_bounds = array<i64: 1, 128>}, {pipeline_mode = #tpu.pipeline_mode<synchronous>, transform_indices = @transform_23, window_bounds = array<i64: 128, 128>}, {pipeline_mode = #tpu.pipeline_mode<synchronous>, transform_indices = @transform_24, window_bounds = array<i64: 1, 128>}, {pipeline_mode = #tpu.pipeline_mode<synchronous>, transform_indices = @transform_25, window_bounds = array<i64: 128, 128>}, {pipeline_mode = #tpu.pipeline_mode<synchronous>, transform_indices = @transform_26, window_bounds = array<i64: 1, 128>}, {pipeline_mode = #tpu.pipeline_mode<synchronous>, transform_indices = @transform_27, window_bounds = array<i64: 256, 128>}, {pipeline_mode = #tpu.pipeline_mode<synchronous>, transform_indices = @transform_28, window_bounds = array<i64: 256, 128>}, {pipeline_mode = #tpu.pipeline_mode<synchronous>, transform_indices = @transform_29, window_bounds = array<i64: 1, 256>}, {pipeline_mode = #tpu.pipeline_mode<synchronous>, transform_indices = @transform_30, window_bounds = array<i64: 256, 256>}, {pipeline_mode = #tpu.pipeline_mode<synchronous>, transform_indices = @transform_31, window_bounds = array<i64: 1, 256>}, {pipeline_mode = #tpu.pipeline_mode<synchronous>, transform_indices = @transform_32, window_bounds = array<i64: 128, 128>}, {pipeline_mode = #tpu.pipeline_mode<synchronous>, transform_indices = @transform_33, window_bounds = array<i64: 128, 128>}, {pipeline_mode = #tpu.pipeline_mode<synchronous>, transform_indices = @transform_34, window_bounds = array<i64: 1, 128>}, {pipeline_mode = #tpu.pipeline_mode<synchronous>, transform_indices = @transform_35, window_bounds = array<i64: 128, 128>}, {pipeline_mode = #tpu.pipeline_mode<synchronous>, transform_indices = @transform_36, window_bounds = array<i64: 1, 128>}, {pipeline_mode = #tpu.pipeline_mode<synchronous>, transform_indices = @transform_37, window_bounds = array<i64: 128, 128>}, {pipeline_mode = #tpu.pipeline_mode<synchronous>, transform_indices = @transform_38, window_bounds = array<i64: 1, 128>}, {pipeline_mode = #tpu.pipeline_mode<synchronous>, transform_indices = @transform_39, window_bounds = array<i64: 128, 128>}, {pipeline_mode = #tpu.pipeline_mode<synchronous>, transform_indices = @transform_40, window_bounds = array<i64: 1, 128>}, {transform_indices = @transform_41, window_bounds = array<i64: 1792, 128>}]} {
    %get3A = arith.constant 0 : index
    %get3A_0 = arith.constant 0 : index
    %get3A_1 = vector.load %arg3[%get3A, %get3A_0] : memref<256x256xbf16, #tpu.memory_space<vmem>>, vector<256x256xbf16>
    %get3A_2 = arith.constant 0 : index
    %get3A_3 = arith.constant 0 : index
    %get3A_4 = vector.load %arg4[%get3A_2, %get3A_3] : memref<1x256xbf16, #tpu.memory_space<vmem>>, vector<1x256xbf16>
    %get3A_5 = arith.constant 0 : index
    %get3A_6 = arith.constant 0 : index
    %get3A_7 = vector.load %arg5[%get3A_5, %get3A_6] : memref<256x256xbf16, #tpu.memory_space<vmem>>, vector<256x256xbf16>
    %get3A_8 = arith.constant 0 : index
    %get3A_9 = arith.constant 0 : index
    %get3A_10 = vector.load %arg6[%get3A_8, %get3A_9] : memref<1x256xbf16, #tpu.memory_space<vmem>>, vector<1x256xbf16>
    %get3A_11 = arith.constant 0 : index
    %get3A_12 = arith.constant 0 : index
    %get3A_13 = vector.load %arg7[%get3A_11, %get3A_12] : memref<128x256xbf16, #tpu.memory_space<vmem>>, vector<128x256xbf16>
    %get3A_14 = arith.constant 0 : index
    %get3A_15 = arith.constant 0 : index
    %get3A_16 = vector.load %arg8[%get3A_14, %get3A_15] : memref<1x128xbf16, #tpu.memory_space<vmem>>, vector<1x128xbf16>
    %get3A_17 = arith.constant 0 : index
    %get3A_18 = arith.constant 0 : index
    %get3A_19 = vector.load %arg9[%get3A_17, %get3A_18] : memref<128x128xbf16, #tpu.memory_space<vmem>>, vector<128x128xbf16>
    %get3A_20 = arith.constant 0 : index
    %get3A_21 = arith.constant 0 : index
    %get3A_22 = vector.load %arg10[%get3A_20, %get3A_21] : memref<1x128xbf16, #tpu.memory_space<vmem>>, vector<1x128xbf16>
    %get3A_23 = arith.constant 0 : index
    %get3A_24 = arith.constant 0 : index
    %get3A_25 = vector.load %arg11[%get3A_23, %get3A_24] : memref<128x128xbf16, #tpu.memory_space<vmem>>, vector<128x128xbf16>
    %get3A_26 = arith.constant 0 : index
    %get3A_27 = arith.constant 0 : index
    %get3A_28 = vector.load %arg12[%get3A_26, %get3A_27] : memref<1x128xbf16, #tpu.memory_space<vmem>>, vector<1x128xbf16>
    %get3A_29 = arith.constant 0 : index
    %get3A_30 = arith.constant 0 : index
    %get3A_31 = vector.load %arg13[%get3A_29, %get3A_30] : memref<128x128xbf16, #tpu.memory_space<vmem>>, vector<128x128xbf16>
    %get3A_32 = arith.constant 0 : index
    %get3A_33 = arith.constant 0 : index
    %get3A_34 = vector.load %arg14[%get3A_32, %get3A_33] : memref<1x128xbf16, #tpu.memory_space<vmem>>, vector<1x128xbf16>
    %get3A_35 = arith.constant 0 : index
    %get3A_36 = arith.constant 0 : index
    %get3A_37 = vector.load %arg15[%get3A_35, %get3A_36] : memref<256x128xbf16, #tpu.memory_space<vmem>>, vector<256x128xbf16>
    %get3A_38 = arith.constant 0 : index
    %get3A_39 = arith.constant 0 : index
    %get3A_40 = vector.load %arg16[%get3A_38, %get3A_39] : memref<1x256xbf16, #tpu.memory_space<vmem>>, vector<1x256xbf16>
    %get3A_41 = arith.constant 0 : index
    %get3A_42 = arith.constant 0 : index
    %get3A_43 = vector.load %arg17[%get3A_41, %get3A_42] : memref<256x256xbf16, #tpu.memory_space<vmem>>, vector<256x256xbf16>
    %get3A_44 = arith.constant 0 : index
    %get3A_45 = arith.constant 0 : index
    %get3A_46 = vector.load %arg18[%get3A_44, %get3A_45] : memref<1x256xbf16, #tpu.memory_space<vmem>>, vector<1x256xbf16>
    %get3A_47 = arith.constant 0 : index
    %get3A_48 = arith.constant 0 : index
    %get3A_49 = vector.load %arg19[%get3A_47, %get3A_48] : memref<128x128xbf16, #tpu.memory_space<vmem>>, vector<128x128xbf16>
    %get3A_50 = arith.constant 0 : index
    %get3A_51 = arith.constant 0 : index
    %get3A_52 = vector.load %arg20[%get3A_50, %get3A_51] : memref<128x128xbf16, #tpu.memory_space<vmem>>, vector<128x128xbf16>
    %get3A_53 = arith.constant 0 : index
    %get3A_54 = arith.constant 0 : index
    %get3A_55 = vector.load %arg21[%get3A_53, %get3A_54] : memref<1x128xbf16, #tpu.memory_space<vmem>>, vector<1x128xbf16>
    %get3A_56 = arith.constant 0 : index
    %get3A_57 = arith.constant 0 : index
    %get3A_58 = vector.load %arg22[%get3A_56, %get3A_57] : memref<128x128xbf16, #tpu.memory_space<vmem>>, vector<128x128xbf16>
    %get3A_59 = arith.constant 0 : index
    %get3A_60 = arith.constant 0 : index
    %get3A_61 = vector.load %arg23[%get3A_59, %get3A_60] : memref<1x128xbf16, #tpu.memory_space<vmem>>, vector<1x128xbf16>
    %get3A_62 = arith.constant 0 : index
    %get3A_63 = arith.constant 0 : index
    %get3A_64 = vector.load %arg24[%get3A_62, %get3A_63] : memref<128x128xbf16, #tpu.memory_space<vmem>>, vector<128x128xbf16>
    %get3A_65 = arith.constant 0 : index
    %get3A_66 = arith.constant 0 : index
    %get3A_67 = vector.load %arg25[%get3A_65, %get3A_66] : memref<1x128xbf16, #tpu.memory_space<vmem>>, vector<1x128xbf16>
    %get3A_68 = arith.constant 0 : index
    %get3A_69 = arith.constant 0 : index
    %get3A_70 = vector.load %arg26[%get3A_68, %get3A_69] : memref<128x128xbf16, #tpu.memory_space<vmem>>, vector<128x128xbf16>
    %get3A_71 = arith.constant 0 : index
    %get3A_72 = arith.constant 0 : index
    %get3A_73 = vector.load %arg27[%get3A_71, %get3A_72] : memref<1x128xbf16, #tpu.memory_space<vmem>>, vector<1x128xbf16>
    %get3A_74 = arith.constant 0 : index
    %get3A_75 = arith.constant 0 : index
    %get3A_76 = vector.load %arg28[%get3A_74, %get3A_75] : memref<256x128xbf16, #tpu.memory_space<vmem>>, vector<256x128xbf16>
    %get3A_77 = arith.constant 0 : index
    %get3A_78 = arith.constant 0 : index
    %get3A_79 = vector.load %arg29[%get3A_77, %get3A_78] : memref<256x128xbf16, #tpu.memory_space<vmem>>, vector<256x128xbf16>
    %get3A_80 = arith.constant 0 : index
    %get3A_81 = arith.constant 0 : index
    %get3A_82 = vector.load %arg30[%get3A_80, %get3A_81] : memref<1x256xbf16, #tpu.memory_space<vmem>>, vector<1x256xbf16>
    %get3A_83 = arith.constant 0 : index
    %get3A_84 = arith.constant 0 : index
    %get3A_85 = vector.load %arg31[%get3A_83, %get3A_84] : memref<256x256xbf16, #tpu.memory_space<vmem>>, vector<256x256xbf16>
    %get3A_86 = arith.constant 0 : index
    %get3A_87 = arith.constant 0 : index
    %get3A_88 = vector.load %arg32[%get3A_86, %get3A_87] : memref<1x256xbf16, #tpu.memory_space<vmem>>, vector<1x256xbf16>
    %get3A_89 = arith.constant 0 : index
    %get3A_90 = arith.constant 0 : index
    %get3A_91 = vector.load %arg33[%get3A_89, %get3A_90] : memref<128x128xbf16, #tpu.memory_space<vmem>>, vector<128x128xbf16>
    %get3A_92 = arith.constant 0 : index
    %get3A_93 = arith.constant 0 : index
    %get3A_94 = vector.load %arg34[%get3A_92, %get3A_93] : memref<128x128xbf16, #tpu.memory_space<vmem>>, vector<128x128xbf16>
    %get3A_95 = arith.constant 0 : index
    %get3A_96 = arith.constant 0 : index
    %get3A_97 = vector.load %arg35[%get3A_95, %get3A_96] : memref<1x128xbf16, #tpu.memory_space<vmem>>, vector<1x128xbf16>
    %get3A_98 = arith.constant 0 : index
    %get3A_99 = arith.constant 0 : index
    %get3A_100 = vector.load %arg36[%get3A_98, %get3A_99] : memref<128x128xbf16, #tpu.memory_space<vmem>>, vector<128x128xbf16>
    %get3A_101 = arith.constant 0 : index
    %get3A_102 = arith.constant 0 : index
    %get3A_103 = vector.load %arg37[%get3A_101, %get3A_102] : memref<1x128xbf16, #tpu.memory_space<vmem>>, vector<1x128xbf16>
    %get3A_104 = arith.constant 0 : index
    %get3A_105 = arith.constant 0 : index
    %get3A_106 = vector.load %arg38[%get3A_104, %get3A_105] : memref<128x128xbf16, #tpu.memory_space<vmem>>, vector<128x128xbf16>
    %get3A_107 = arith.constant 0 : index
    %get3A_108 = arith.constant 0 : index
    %get3A_109 = vector.load %arg39[%get3A_107, %get3A_108] : memref<1x128xbf16, #tpu.memory_space<vmem>>, vector<1x128xbf16>
    %get3A_110 = arith.constant 0 : index
    %get3A_111 = arith.constant 0 : index
    %get3A_112 = vector.load %arg40[%get3A_110, %get3A_111] : memref<128x128xbf16, #tpu.memory_space<vmem>>, vector<128x128xbf16>
    %get3A_113 = arith.constant 0 : index
    %get3A_114 = arith.constant 0 : index
    %get3A_115 = vector.load %arg41[%get3A_113, %get3A_114] : memref<1x128xbf16, #tpu.memory_space<vmem>>, vector<1x128xbf16>
    %get3A_116 = arith.constant 0 : index
    %get3A_117 = arith.constant 0 : index
    %get3A_118 = vector.load %arg1[%get3A_116, %get3A_117] : memref<1792x256xf32, #tpu.memory_space<vmem>>, vector<1792x256xf32>
    %convert_element_type3A = arith.truncf %get3A_118 : vector<1792x256xf32> to vector<1792x256xbf16>
    %get3A_119 = arith.constant 0 : index
    %get3A_120 = arith.constant 0 : index
    %get3A_121 = vector.load %arg2[%get3A_119, %get3A_120] : memref<1792x128xbf16, #tpu.memory_space<vmem>>, vector<1792x128xbf16>
    %dot_general3A = arith.constant dense<0.000000e+00> : vector<1792x256xf32>
    %dot_general3A_122 = tpu.matmul %convert_element_type3A, %get3A_1, %dot_general3A {dimension_numbers = #tpu.dot_dimension_numbers<[1], [1], [0], [0], [0, 0, 1, 0], [], []>, transpose_lhs_hint = false} : vector<1792x256xbf16>, vector<256x256xbf16>, vector<1792x256xf32> -> vector<1792x256xf32>
    %convert_element_type3A_123 = arith.truncf %dot_general3A_122 : vector<1792x256xf32> to vector<1792x256xbf16>
    %add3A = vector.broadcast %get3A_4 : vector<1x256xbf16> to vector<1792x256xbf16>
    %add3A_124 = arith.addf %convert_element_type3A_123, %add3A : vector<1792x256xbf16>
    %tanh3A = math.tanh %add3A_124 : vector<1792x256xbf16>
    %dot_general3A_125 = arith.constant dense<0.000000e+00> : vector<1792x256xf32>
    %dot_general3A_126 = tpu.matmul %tanh3A, %get3A_7, %dot_general3A_125 {dimension_numbers = #tpu.dot_dimension_numbers<[1], [1], [0], [0], [0, 0, 1, 0], [], []>, transpose_lhs_hint = false} : vector<1792x256xbf16>, vector<256x256xbf16>, vector<1792x256xf32> -> vector<1792x256xf32>
    %convert_element_type3A_127 = arith.truncf %dot_general3A_126 : vector<1792x256xf32> to vector<1792x256xbf16>
    %add3A_128 = vector.broadcast %get3A_10 : vector<1x256xbf16> to vector<1792x256xbf16>
    %add3A_129 = arith.addf %convert_element_type3A_127, %add3A_128 : vector<1792x256xbf16>
    %tanh3A_130 = math.tanh %add3A_129 : vector<1792x256xbf16>
    %add3A_131 = arith.addf %tanh3A_130, %convert_element_type3A : vector<1792x256xbf16>
    %dot_general3A_132 = arith.constant dense<0.000000e+00> : vector<1792x128xf32>
    %dot_general3A_133 = tpu.matmul %add3A_131, %get3A_13, %dot_general3A_132 {dimension_numbers = #tpu.dot_dimension_numbers<[1], [1], [0], [0], [0, 0, 1, 0], [], []>, transpose_lhs_hint = false} : vector<1792x256xbf16>, vector<128x256xbf16>, vector<1792x128xf32> -> vector<1792x128xf32>
    %convert_element_type3A_134 = arith.truncf %dot_general3A_133 : vector<1792x128xf32> to vector<1792x128xbf16>
    %add3A_135 = vector.broadcast %get3A_16 : vector<1x128xbf16> to vector<1792x128xbf16>
    %add3A_136 = arith.addf %convert_element_type3A_134, %add3A_135 : vector<1792x128xbf16>
    %tanh3A_137 = math.tanh %add3A_136 : vector<1792x128xbf16>
    %dot_general3A_138 = arith.constant dense<0.000000e+00> : vector<1792x128xf32>
    %dot_general3A_139 = tpu.matmul %tanh3A_137, %get3A_19, %dot_general3A_138 {dimension_numbers = #tpu.dot_dimension_numbers<[1], [1], [0], [0], [0, 0, 1, 0], [], []>, transpose_lhs_hint = false} : vector<1792x128xbf16>, vector<128x128xbf16>, vector<1792x128xf32> -> vector<1792x128xf32>
    %convert_element_type3A_140 = arith.truncf %dot_general3A_139 : vector<1792x128xf32> to vector<1792x128xbf16>
    %add3A_141 = vector.broadcast %get3A_22 : vector<1x128xbf16> to vector<1792x128xbf16>
    %add3A_142 = arith.addf %convert_element_type3A_140, %add3A_141 : vector<1792x128xbf16>
    %tanh3A_143 = math.tanh %add3A_142 : vector<1792x128xbf16>
    %dot_general3A_144 = arith.constant dense<0.000000e+00> : vector<1792x128xf32>
    %dot_general3A_145 = tpu.matmul %tanh3A_143, %get3A_25, %dot_general3A_144 {dimension_numbers = #tpu.dot_dimension_numbers<[1], [1], [0], [0], [0, 0, 1, 0], [], []>, transpose_lhs_hint = false} : vector<1792x128xbf16>, vector<128x128xbf16>, vector<1792x128xf32> -> vector<1792x128xf32>
    %convert_element_type3A_146 = arith.truncf %dot_general3A_145 : vector<1792x128xf32> to vector<1792x128xbf16>
    %add3A_147 = vector.broadcast %get3A_28 : vector<1x128xbf16> to vector<1792x128xbf16>
    %add3A_148 = arith.addf %convert_element_type3A_146, %add3A_147 : vector<1792x128xbf16>
    %tanh3A_149 = math.tanh %add3A_148 : vector<1792x128xbf16>
    %add3A_150 = arith.addf %tanh3A_149, %tanh3A_137 : vector<1792x128xbf16>
    %dot_general3A_151 = arith.constant dense<0.000000e+00> : vector<1792x128xf32>
    %dot_general3A_152 = tpu.matmul %add3A_150, %get3A_31, %dot_general3A_151 {dimension_numbers = #tpu.dot_dimension_numbers<[1], [1], [0], [0], [0, 0, 1, 0], [], []>, transpose_lhs_hint = false} : vector<1792x128xbf16>, vector<128x128xbf16>, vector<1792x128xf32> -> vector<1792x128xf32>
    %convert_element_type3A_153 = arith.truncf %dot_general3A_152 : vector<1792x128xf32> to vector<1792x128xbf16>
    %add3A_154 = vector.broadcast %get3A_34 : vector<1x128xbf16> to vector<1792x128xbf16>
    %add3A_155 = arith.addf %convert_element_type3A_153, %add3A_154 : vector<1792x128xbf16>
    %tanh3A_156 = math.tanh %add3A_155 : vector<1792x128xbf16>
    %dot_general3A_157 = arith.constant dense<0.000000e+00> : vector<1792x256xf32>
    %dot_general3A_158 = tpu.matmul %tanh3A_156, %get3A_37, %dot_general3A_157 {dimension_numbers = #tpu.dot_dimension_numbers<[1], [1], [0], [0], [0, 0, 1, 0], [], []>, transpose_lhs_hint = false} : vector<1792x128xbf16>, vector<256x128xbf16>, vector<1792x256xf32> -> vector<1792x256xf32>
    %convert_element_type3A_159 = arith.truncf %dot_general3A_158 : vector<1792x256xf32> to vector<1792x256xbf16>
    %add3A_160 = vector.broadcast %get3A_40 : vector<1x256xbf16> to vector<1792x256xbf16>
    %add3A_161 = arith.addf %convert_element_type3A_159, %add3A_160 : vector<1792x256xbf16>
    %tanh3A_162 = math.tanh %add3A_161 : vector<1792x256xbf16>
    %dot_general3A_163 = arith.constant dense<0.000000e+00> : vector<1792x256xf32>
    %dot_general3A_164 = tpu.matmul %tanh3A_162, %get3A_43, %dot_general3A_163 {dimension_numbers = #tpu.dot_dimension_numbers<[1], [1], [0], [0], [0, 0, 1, 0], [], []>, transpose_lhs_hint = false} : vector<1792x256xbf16>, vector<256x256xbf16>, vector<1792x256xf32> -> vector<1792x256xf32>
    %convert_element_type3A_165 = arith.truncf %dot_general3A_164 : vector<1792x256xf32> to vector<1792x256xbf16>
    %add3A_166 = vector.broadcast %get3A_46 : vector<1x256xbf16> to vector<1792x256xbf16>
    %add3A_167 = arith.addf %convert_element_type3A_165, %add3A_166 : vector<1792x256xbf16>
    %tanh3A_168 = math.tanh %add3A_167 : vector<1792x256xbf16>
    %slice3A = vector.extract_strided_slice %tanh3A_168 {offsets = [0, 0], sizes = [1792, 128], strides = [1, 1]} : vector<1792x256xbf16> to vector<1792x128xbf16>
    %dot_general3A_169 = arith.constant dense<0.000000e+00> : vector<1792x128xf32>
    %dot_general3A_170 = tpu.matmul %slice3A, %get3A_49, %dot_general3A_169 {dimension_numbers = #tpu.dot_dimension_numbers<[1], [1], [0], [0], [0, 0, 1, 0], [], []>, transpose_lhs_hint = false} : vector<1792x128xbf16>, vector<128x128xbf16>, vector<1792x128xf32> -> vector<1792x128xf32>
    %convert_element_type3A_171 = arith.truncf %dot_general3A_170 : vector<1792x128xf32> to vector<1792x128xbf16>
    %slice3A_172 = vector.extract_strided_slice %tanh3A_168 {offsets = [0, 128], sizes = [1792, 128], strides = [1, 1]} : vector<1792x256xbf16> to vector<1792x128xbf16>
    %add3A_173 = arith.addf %slice3A_172, %tanh3A_156 : vector<1792x128xbf16>
    %dot_general3A_174 = arith.constant dense<0.000000e+00> : vector<1792x128xf32>
    %dot_general3A_175 = tpu.matmul %add3A_173, %get3A_52, %dot_general3A_174 {dimension_numbers = #tpu.dot_dimension_numbers<[1], [1], [0], [0], [0, 0, 1, 0], [], []>, transpose_lhs_hint = false} : vector<1792x128xbf16>, vector<128x128xbf16>, vector<1792x128xf32> -> vector<1792x128xf32>
    %convert_element_type3A_176 = arith.truncf %dot_general3A_175 : vector<1792x128xf32> to vector<1792x128xbf16>
    %add3A_177 = arith.addf %convert_element_type3A_171, %convert_element_type3A_176 : vector<1792x128xbf16>
    %add3A_178 = vector.broadcast %get3A_55 : vector<1x128xbf16> to vector<1792x128xbf16>
    %add3A_179 = arith.addf %add3A_177, %add3A_178 : vector<1792x128xbf16>
    %tanh3A_180 = math.tanh %add3A_179 : vector<1792x128xbf16>
    %dot_general3A_181 = arith.constant dense<0.000000e+00> : vector<1792x128xf32>
    %dot_general3A_182 = tpu.matmul %tanh3A_180, %get3A_58, %dot_general3A_181 {dimension_numbers = #tpu.dot_dimension_numbers<[1], [1], [0], [0], [0, 0, 1, 0], [], []>, transpose_lhs_hint = false} : vector<1792x128xbf16>, vector<128x128xbf16>, vector<1792x128xf32> -> vector<1792x128xf32>
    %convert_element_type3A_183 = arith.truncf %dot_general3A_182 : vector<1792x128xf32> to vector<1792x128xbf16>
    %add3A_184 = vector.broadcast %get3A_61 : vector<1x128xbf16> to vector<1792x128xbf16>
    %add3A_185 = arith.addf %convert_element_type3A_183, %add3A_184 : vector<1792x128xbf16>
    %tanh3A_186 = math.tanh %add3A_185 : vector<1792x128xbf16>
    %dot_general3A_187 = arith.constant dense<0.000000e+00> : vector<1792x128xf32>
    %dot_general3A_188 = tpu.matmul %tanh3A_186, %get3A_64, %dot_general3A_187 {dimension_numbers = #tpu.dot_dimension_numbers<[1], [1], [0], [0], [0, 0, 1, 0], [], []>, transpose_lhs_hint = false} : vector<1792x128xbf16>, vector<128x128xbf16>, vector<1792x128xf32> -> vector<1792x128xf32>
    %convert_element_type3A_189 = arith.truncf %dot_general3A_188 : vector<1792x128xf32> to vector<1792x128xbf16>
    %add3A_190 = vector.broadcast %get3A_67 : vector<1x128xbf16> to vector<1792x128xbf16>
    %add3A_191 = arith.addf %convert_element_type3A_189, %add3A_190 : vector<1792x128xbf16>
    %tanh3A_192 = math.tanh %add3A_191 : vector<1792x128xbf16>
    %add3A_193 = arith.addf %tanh3A_192, %tanh3A_180 : vector<1792x128xbf16>
    %dot_general3A_194 = arith.constant dense<0.000000e+00> : vector<1792x128xf32>
    %dot_general3A_195 = tpu.matmul %add3A_193, %get3A_70, %dot_general3A_194 {dimension_numbers = #tpu.dot_dimension_numbers<[1], [1], [0], [0], [0, 0, 1, 0], [], []>, transpose_lhs_hint = false} : vector<1792x128xbf16>, vector<128x128xbf16>, vector<1792x128xf32> -> vector<1792x128xf32>
    %convert_element_type3A_196 = arith.truncf %dot_general3A_195 : vector<1792x128xf32> to vector<1792x128xbf16>
    %add3A_197 = vector.broadcast %get3A_73 : vector<1x128xbf16> to vector<1792x128xbf16>
    %add3A_198 = arith.addf %convert_element_type3A_196, %add3A_197 : vector<1792x128xbf16>
    %tanh3A_199 = math.tanh %add3A_198 : vector<1792x128xbf16>
    %dot_general3A_200 = arith.constant dense<0.000000e+00> : vector<1792x256xf32>
    %dot_general3A_201 = tpu.matmul %tanh3A_199, %get3A_76, %dot_general3A_200 {dimension_numbers = #tpu.dot_dimension_numbers<[1], [1], [0], [0], [0, 0, 1, 0], [], []>, transpose_lhs_hint = false} : vector<1792x128xbf16>, vector<256x128xbf16>, vector<1792x256xf32> -> vector<1792x256xf32>
    %convert_element_type3A_202 = arith.truncf %dot_general3A_201 : vector<1792x256xf32> to vector<1792x256xbf16>
    %dot_general3A_203 = arith.constant dense<0.000000e+00> : vector<1792x256xf32>
    %dot_general3A_204 = tpu.matmul %get3A_121, %get3A_79, %dot_general3A_203 {dimension_numbers = #tpu.dot_dimension_numbers<[1], [1], [0], [0], [0, 0, 1, 0], [], []>, transpose_lhs_hint = false} : vector<1792x128xbf16>, vector<256x128xbf16>, vector<1792x256xf32> -> vector<1792x256xf32>
    %convert_element_type3A_205 = arith.truncf %dot_general3A_204 : vector<1792x256xf32> to vector<1792x256xbf16>
    %add3A_206 = arith.addf %convert_element_type3A_202, %convert_element_type3A_205 : vector<1792x256xbf16>
    %add3A_207 = vector.broadcast %get3A_82 : vector<1x256xbf16> to vector<1792x256xbf16>
    %add3A_208 = arith.addf %add3A_206, %add3A_207 : vector<1792x256xbf16>
    %tanh3A_209 = math.tanh %add3A_208 : vector<1792x256xbf16>
    %dot_general3A_210 = arith.constant dense<0.000000e+00> : vector<1792x256xf32>
    %dot_general3A_211 = tpu.matmul %tanh3A_209, %get3A_85, %dot_general3A_210 {dimension_numbers = #tpu.dot_dimension_numbers<[1], [1], [0], [0], [0, 0, 1, 0], [], []>, transpose_lhs_hint = false} : vector<1792x256xbf16>, vector<256x256xbf16>, vector<1792x256xf32> -> vector<1792x256xf32>
    %convert_element_type3A_212 = arith.truncf %dot_general3A_211 : vector<1792x256xf32> to vector<1792x256xbf16>
    %add3A_213 = vector.broadcast %get3A_88 : vector<1x256xbf16> to vector<1792x256xbf16>
    %add3A_214 = arith.addf %convert_element_type3A_212, %add3A_213 : vector<1792x256xbf16>
    %tanh3A_215 = math.tanh %add3A_214 : vector<1792x256xbf16>
    %slice3A_216 = vector.extract_strided_slice %tanh3A_215 {offsets = [0, 0], sizes = [1792, 128], strides = [1, 1]} : vector<1792x256xbf16> to vector<1792x128xbf16>
    %add3A_217 = arith.addf %slice3A_216, %tanh3A_199 : vector<1792x128xbf16>
    %dot_general3A_218 = arith.constant dense<0.000000e+00> : vector<1792x128xf32>
    %dot_general3A_219 = tpu.matmul %add3A_217, %get3A_91, %dot_general3A_218 {dimension_numbers = #tpu.dot_dimension_numbers<[1], [1], [0], [0], [0, 0, 1, 0], [], []>, transpose_lhs_hint = false} : vector<1792x128xbf16>, vector<128x128xbf16>, vector<1792x128xf32> -> vector<1792x128xf32>
    %convert_element_type3A_220 = arith.truncf %dot_general3A_219 : vector<1792x128xf32> to vector<1792x128xbf16>
    %slice3A_221 = vector.extract_strided_slice %tanh3A_215 {offsets = [0, 128], sizes = [1792, 128], strides = [1, 1]} : vector<1792x256xbf16> to vector<1792x128xbf16>
    %add3A_222 = arith.addf %slice3A_221, %get3A_121 : vector<1792x128xbf16>
    %dot_general3A_223 = arith.constant dense<0.000000e+00> : vector<1792x128xf32>
    %dot_general3A_224 = tpu.matmul %add3A_222, %get3A_94, %dot_general3A_223 {dimension_numbers = #tpu.dot_dimension_numbers<[1], [1], [0], [0], [0, 0, 1, 0], [], []>, transpose_lhs_hint = false} : vector<1792x128xbf16>, vector<128x128xbf16>, vector<1792x128xf32> -> vector<1792x128xf32>
    %convert_element_type3A_225 = arith.truncf %dot_general3A_224 : vector<1792x128xf32> to vector<1792x128xbf16>
    %add3A_226 = arith.addf %convert_element_type3A_220, %convert_element_type3A_225 : vector<1792x128xbf16>
    %add3A_227 = vector.broadcast %get3A_97 : vector<1x128xbf16> to vector<1792x128xbf16>
    %add3A_228 = arith.addf %add3A_226, %add3A_227 : vector<1792x128xbf16>
    %tanh3A_229 = math.tanh %add3A_228 : vector<1792x128xbf16>
    %dot_general3A_230 = arith.constant dense<0.000000e+00> : vector<1792x128xf32>
    %dot_general3A_231 = tpu.matmul %tanh3A_229, %get3A_100, %dot_general3A_230 {dimension_numbers = #tpu.dot_dimension_numbers<[1], [1], [0], [0], [0, 0, 1, 0], [], []>, transpose_lhs_hint = false} : vector<1792x128xbf16>, vector<128x128xbf16>, vector<1792x128xf32> -> vector<1792x128xf32>
    %convert_element_type3A_232 = arith.truncf %dot_general3A_231 : vector<1792x128xf32> to vector<1792x128xbf16>
    %add3A_233 = vector.broadcast %get3A_103 : vector<1x128xbf16> to vector<1792x128xbf16>
    %add3A_234 = arith.addf %convert_element_type3A_232, %add3A_233 : vector<1792x128xbf16>
    %tanh3A_235 = math.tanh %add3A_234 : vector<1792x128xbf16>
    %dot_general3A_236 = arith.constant dense<0.000000e+00> : vector<1792x128xf32>
    %dot_general3A_237 = tpu.matmul %tanh3A_235, %get3A_106, %dot_general3A_236 {dimension_numbers = #tpu.dot_dimension_numbers<[1], [1], [0], [0], [0, 0, 1, 0], [], []>, transpose_lhs_hint = false} : vector<1792x128xbf16>, vector<128x128xbf16>, vector<1792x128xf32> -> vector<1792x128xf32>
    %convert_element_type3A_238 = arith.truncf %dot_general3A_237 : vector<1792x128xf32> to vector<1792x128xbf16>
    %add3A_239 = vector.broadcast %get3A_109 : vector<1x128xbf16> to vector<1792x128xbf16>
    %add3A_240 = arith.addf %convert_element_type3A_238, %add3A_239 : vector<1792x128xbf16>
    %tanh3A_241 = math.tanh %add3A_240 : vector<1792x128xbf16>
    %add3A_242 = arith.addf %tanh3A_241, %tanh3A_229 : vector<1792x128xbf16>
    %dot_general3A_243 = arith.constant dense<0.000000e+00> : vector<1792x128xf32>
    %dot_general3A_244 = tpu.matmul %add3A_242, %get3A_112, %dot_general3A_243 {dimension_numbers = #tpu.dot_dimension_numbers<[1], [1], [0], [0], [0, 0, 1, 0], [], []>, transpose_lhs_hint = false} : vector<1792x128xbf16>, vector<128x128xbf16>, vector<1792x128xf32> -> vector<1792x128xf32>
    %convert_element_type3A_245 = arith.truncf %dot_general3A_244 : vector<1792x128xf32> to vector<1792x128xbf16>
    %add3A_246 = vector.broadcast %get3A_115 : vector<1x128xbf16> to vector<1792x128xbf16>
    %add3A_247 = arith.addf %convert_element_type3A_245, %add3A_246 : vector<1792x128xbf16>
    %tanh3A_248 = math.tanh %add3A_247 : vector<1792x128xbf16>
    %convert_element_type3A_249 = arith.extf %tanh3A_248 : vector<1792x128xbf16> to vector<1792x128xf32>
    %swap3A = arith.constant 0 : index
    %swap3A_250 = arith.constant 0 : index
    %swap3A_251 = vector.load %arg42[%swap3A, %swap3A_250] : memref<1792x128xf32, #tpu.memory_space<vmem>>, vector<1792x128xf32>
    tpu.vector_store %arg42[%swap3A, %swap3A_250], %convert_element_type3A_249 {strides = array<i32>} : memref<1792x128xf32, #tpu.memory_space<vmem>>, vector<1792x128xf32>,
    return
  }
  func.func @transform_0(%arg0: i32) -> (i32, i32) {
    %c0_i32 = arith.constant 0 : i32
    %c0_i32_0 = arith.constant 0 : i32
    return %arg0, %c0_i32 : i32, i32
  }
  func.func @transform_1(%arg0: i32) -> (i32, i32) {
    %c0_i32 = arith.constant 0 : i32
    %c0_i32_0 = arith.constant 0 : i32
    return %arg0, %c0_i32 : i32, i32
  }
  func.func @transform_2(%arg0: i32) -> (i32, i32) {
    %c0_i32 = arith.constant 0 : i32
    %c0_i32_0 = arith.constant 0 : i32
    %c0_i32_1 = arith.constant 0 : i32
    return %c0_i32, %c0_i32_0 : i32, i32
  }
  func.func @transform_3(%arg0: i32) -> (i32, i32) {
    %c0_i32 = arith.constant 0 : i32
    %c0_i32_0 = arith.constant 0 : i32
    %c0_i32_1 = arith.constant 0 : i32
    return %c0_i32, %c0_i32_0 : i32, i32
  }
  func.func @transform_4(%arg0: i32) -> (i32, i32) {
    %c0_i32 = arith.constant 0 : i32
    %c0_i32_0 = arith.constant 0 : i32
    %c0_i32_1 = arith.constant 0 : i32
    return %c0_i32, %c0_i32_0 : i32, i32
  }
  func.func @transform_5(%arg0: i32) -> (i32, i32) {
    %c0_i32 = arith.constant 0 : i32
    %c0_i32_0 = arith.constant 0 : i32
    %c0_i32_1 = arith.constant 0 : i32
    return %c0_i32, %c0_i32_0 : i32, i32
  }
  func.func @transform_6(%arg0: i32) -> (i32, i32) {
    %c0_i32 = arith.constant 0 : i32
    %c0_i32_0 = arith.constant 0 : i32
    %c0_i32_1 = arith.constant 0 : i32
    return %c0_i32, %c0_i32_0 : i32, i32
  }
  func.func @transform_7(%arg0: i32) -> (i32, i32) {
    %c0_i32 = arith.constant 0 : i32
    %c0_i32_0 = arith.constant 0 : i32
    %c0_i32_1 = arith.constant 0 : i32
    return %c0_i32, %c0_i32_0 : i32, i32
  }
  func.func @transform_8(%arg0: i32) -> (i32, i32) {
    %c0_i32 = arith.constant 0 : i32
    %c0_i32_0 = arith.constant 0 : i32
    %c0_i32_1 = arith.constant 0 : i32
    return %c0_i32, %c0_i32_0 : i32, i32
  }
  func.func @transform_9(%arg0: i32) -> (i32, i32) {
    %c0_i32 = arith.constant 0 : i32
    %c0_i32_0 = arith.constant 0 : i32
    %c0_i32_1 = arith.constant 0 : i32
    return %c0_i32, %c0_i32_0 : i32, i32
  }
  func.func @transform_10(%arg0: i32) -> (i32, i32) {
    %c0_i32 = arith.constant 0 : i32
    %c0_i32_0 = arith.constant 0 : i32
    %c0_i32_1 = arith.constant 0 : i32
    return %c0_i32, %c0_i32_0 : i32, i32
  }
  func.func @transform_11(%arg0: i32) -> (i32, i32) {
    %c0_i32 = arith.constant 0 : i32
    %c0_i32_0 = arith.constant 0 : i32
    %c0_i32_1 = arith.constant 0 : i32
    return %c0_i32, %c0_i32_0 : i32, i32
  }
  func.func @transform_12(%arg0: i32) -> (i32, i32) {
    %c0_i32 = arith.constant 0 : i32
    %c0_i32_0 = arith.constant 0 : i32
    %c0_i32_1 = arith.constant 0 : i32
    return %c0_i32, %c0_i32_0 : i32, i32
  }
  func.func @transform_13(%arg0: i32) -> (i32, i32) {
    %c0_i32 = arith.constant 0 : i32
    %c0_i32_0 = arith.constant 0 : i32
    %c0_i32_1 = arith.constant 0 : i32
    return %c0_i32, %c0_i32_0 : i32, i32
  }
  func.func @transform_14(%arg0: i32) -> (i32, i32) {
    %c0_i32 = arith.constant 0 : i32
    %c0_i32_0 = arith.constant 0 : i32
    %c0_i32_1 = arith.constant 0 : i32
    return %c0_i32, %c0_i32_0 : i32, i32
  }
  func.func @transform_15(%arg0: i32) -> (i32, i32) {
    %c0_i32 = arith.constant 0 : i32
    %c0_i32_0 = arith.constant 0 : i32
    %c0_i32_1 = arith.constant 0 : i32
    return %c0_i32, %c0_i32_0 : i32, i32
  }
  func.func @transform_16(%arg0: i32) -> (i32, i32) {
    %c0_i32 = arith.constant 0 : i32
    %c0_i32_0 = arith.constant 0 : i32
    %c0_i32_1 = arith.constant 0 : i32
    return %c0_i32, %c0_i32_0 : i32, i32
  }
  func.func @transform_17(%arg0: i32) -> (i32, i32) {
    %c0_i32 = arith.constant 0 : i32
    %c0_i32_0 = arith.constant 0 : i32
    %c0_i32_1 = arith.constant 0 : i32
    return %c0_i32, %c0_i32_0 : i32, i32
  }
  func.func @transform_18(%arg0: i32) -> (i32, i32) {
    %c0_i32 = arith.constant 0 : i32
    %c0_i32_0 = arith.constant 0 : i32
    %c0_i32_1 = arith.constant 0 : i32
    return %c0_i32, %c0_i32_0 : i32, i32
  }
  func.func @transform_19(%arg0: i32) -> (i32, i32) {
    %c0_i32 = arith.constant 0 : i32
    %c0_i32_0 = arith.constant 0 : i32
    %c0_i32_1 = arith.constant 0 : i32
    return %c0_i32, %c0_i32_0 : i32, i32
  }
  func.func @transform_20(%arg0: i32) -> (i32, i32) {
    %c0_i32 = arith.constant 0 : i32
    %c0_i32_0 = arith.constant 0 : i32
    %c0_i32_1 = arith.constant 0 : i32
    return %c0_i32, %c0_i32_0 : i32, i32
  }
  func.func @transform_21(%arg0: i32) -> (i32, i32) {
    %c0_i32 = arith.constant 0 : i32
    %c0_i32_0 = arith.constant 0 : i32
    %c0_i32_1 = arith.constant 0 : i32
    return %c0_i32, %c0_i32_0 : i32, i32
  }
  func.func @transform_22(%arg0: i32) -> (i32, i32) {
    %c0_i32 = arith.constant 0 : i32
    %c0_i32_0 = arith.constant 0 : i32
    %c0_i32_1 = arith.constant 0 : i32
    return %c0_i32, %c0_i32_0 : i32, i32
  }
  func.func @transform_23(%arg0: i32) -> (i32, i32) {
    %c0_i32 = arith.constant 0 : i32
    %c0_i32_0 = arith.constant 0 : i32
    %c0_i32_1 = arith.constant 0 : i32
    return %c0_i32, %c0_i32_0 : i32, i32
  }
  func.func @transform_24(%arg0: i32) -> (i32, i32) {
    %c0_i32 = arith.constant 0 : i32
    %c0_i32_0 = arith.constant 0 : i32
    %c0_i32_1 = arith.constant 0 : i32
    return %c0_i32, %c0_i32_0 : i32, i32
  }
  func.func @transform_25(%arg0: i32) -> (i32, i32) {
    %c0_i32 = arith.constant 0 : i32
    %c0_i32_0 = arith.constant 0 : i32
    %c0_i32_1 = arith.constant 0 : i32
    return %c0_i32, %c0_i32_0 : i32, i32
  }
  func.func @transform_26(%arg0: i32) -> (i32, i32) {
    %c0_i32 = arith.constant 0 : i32
    %c0_i32_0 = arith.constant 0 : i32
    %c0_i32_1 = arith.constant 0 : i32
    return %c0_i32, %c0_i32_0 : i32, i32
  }
  func.func @transform_27(%arg0: i32) -> (i32, i32) {
    %c0_i32 = arith.constant 0 : i32
    %c0_i32_0 = arith.constant 0 : i32
    %c0_i32_1 = arith.constant 0 : i32
    return %c0_i32, %c0_i32_0 : i32, i32
  }
  func.func @transform_28(%arg0: i32) -> (i32, i32) {
    %c0_i32 = arith.constant 0 : i32
    %c0_i32_0 = arith.constant 0 : i32
    %c0_i32_1 = arith.constant 0 : i32
    return %c0_i32, %c0_i32_0 : i32, i32
  }
  func.func @transform_29(%arg0: i32) -> (i32, i32) {
    %c0_i32 = arith.constant 0 : i32
    %c0_i32_0 = arith.constant 0 : i32
    %c0_i32_1 = arith.constant 0 : i32
    return %c0_i32, %c0_i32_0 : i32, i32
  }
  func.func @transform_30(%arg0: i32) -> (i32, i32) {
    %c0_i32 = arith.constant 0 : i32
    %c0_i32_0 = arith.constant 0 : i32
    %c0_i32_1 = arith.constant 0 : i32
    return %c0_i32, %c0_i32_0 : i32, i32
  }
  func.func @transform_31(%arg0: i32) -> (i32, i32) {
    %c0_i32 = arith.constant 0 : i32
    %c0_i32_0 = arith.constant 0 : i32
    %c0_i32_1 = arith.constant 0 : i32
    return %c0_i32, %c0_i32_0 : i32, i32
  }
  func.func @transform_32(%arg0: i32) -> (i32, i32) {
    %c0_i32 = arith.constant 0 : i32
    %c0_i32_0 = arith.constant 0 : i32
    %c0_i32_1 = arith.constant 0 : i32
    return %c0_i32, %c0_i32_0 : i32, i32
  }
  func.func @transform_33(%arg0: i32) -> (i32, i32) {
    %c0_i32 = arith.constant 0 : i32
    %c0_i32_0 = arith.constant 0 : i32
    %c0_i32_1 = arith.constant 0 : i32
    return %c0_i32, %c0_i32_0 : i32, i32
  }
  func.func @transform_34(%arg0: i32) -> (i32, i32) {
    %c0_i32 = arith.constant 0 : i32
    %c0_i32_0 = arith.constant 0 : i32
    %c0_i32_1 = arith.constant 0 : i32
    return %c0_i32, %c0_i32_0 : i32, i32
  }
  func.func @transform_35(%arg0: i32) -> (i32, i32) {
    %c0_i32 = arith.constant 0 : i32
    %c0_i32_0 = arith.constant 0 : i32
    %c0_i32_1 = arith.constant 0 : i32
    return %c0_i32, %c0_i32_0 : i32, i32
  }
  func.func @transform_36(%arg0: i32) -> (i32, i32) {
    %c0_i32 = arith.constant 0 : i32
    %c0_i32_0 = arith.constant 0 : i32
    %c0_i32_1 = arith.constant 0 : i32
    return %c0_i32, %c0_i32_0 : i32, i32
  }
  func.func @transform_37(%arg0: i32) -> (i32, i32) {
    %c0_i32 = arith.constant 0 : i32
    %c0_i32_0 = arith.constant 0 : i32
    %c0_i32_1 = arith.constant 0 : i32
    return %c0_i32, %c0_i32_0 : i32, i32
  }
  func.func @transform_38(%arg0: i32) -> (i32, i32) {
    %c0_i32 = arith.constant 0 : i32
    %c0_i32_0 = arith.constant 0 : i32
    %c0_i32_1 = arith.constant 0 : i32
    return %c0_i32, %c0_i32_0 : i32, i32
  }
  func.func @transform_39(%arg0: i32) -> (i32, i32) {
    %c0_i32 = arith.constant 0 : i32
    %c0_i32_0 = arith.constant 0 : i32
    %c0_i32_1 = arith.constant 0 : i32
    return %c0_i32, %c0_i32_0 : i32, i32
  }
  func.func @transform_40(%arg0: i32) -> (i32, i32) {
    %c0_i32 = arith.constant 0 : i32
    %c0_i32_0 = arith.constant 0 : i32
    %c0_i32_1 = arith.constant 0 : i32
    return %c0_i32, %c0_i32_0 : i32, i32
  }
  func.func @transform_41(%arg0: i32) -> (i32, i32) {
    %c0_i32 = arith.constant 0 : i32
    %c0_i32_0 = arith.constant 0 : i32
    return %arg0, %c0_i32 : i32, i32
  }
}

</mosaic_0001>

<sc_bundles>
// kernel: kernel.12.cloned.1.call-start
scs
__scs_entry_jumppad:
0x0: {  	(pc) =	sbr.rel $0x88, $3  }
0x1: {  	(tag) =	ssettag $0x0;
	lr =	simm.s32 $0x1  }
0x2: {  	[smem:$0x3F49] =	sst lr;
	_ =	strace $0xD0000000  }
0x3: {  	_ = 	snop  }
0x4: {  	_ = 	snop  }
0x5: {  	_ = 	snop  }
0x6: {  	_ = 	snop  }
0x7: {  	_ = 	snop  }
__scs_overlays_trampoline_lowered:
0x8: {  	[smem:$0x3F58] =	sst s0  }
0x9: {  	[smem:$0x3F59] =	sst s1  }
0xa: {  	[smem:$0x3F5A] =	sst s2  }
0xb: {  	[smem:$0x3F5B] =	sst s3  }
0xc: {  	[smem:$0x3F5C] =	sst s4  }
0xd: {  	[smem:$0x3F5D] =	sst s5  }
0xe: {  	[smem:$0x3F5E] =	sst s6  }
0xf: {  	[smem:$0x3F5F] =	sst s7  }
0x10: {  	[smem:$0x3F60] =	sst s8  }
0x11: {  	[smem:$0x3F61] =	sst s9;
	s0 =	simm.s32 @!p0 $0x0  }
0x12: {  	s1 =	sld [smem:$0x3F47];
	s0 =	simm.s32 @p0 $0x1  }
0x13: {  	[smem:$0x3F62] =	sst s0;
	s0 =	simm.s32 @!p1 $0x0  }
0x14: {  	s2 =	sld [smem:$0x3F46];
	s0 =	simm.s32 @p1 $0x1  }
0x15: {  	[smem:$0x3F63] =	sst s0;
	s0 =	simm.s32 @!p2 $0x0  }
0x16: {  	s3 =	sld [smem:$0x3FDB];
	s0 =	simm.s32 @p2 $0x1  }
0x17: {  	s4 =	simm.s32 $0x1BF5;
	[smem:$0x3F65] =	sst s0  }
0x18: {  	s0 =	sld [smem:$0x3F48];
	_ =	swait.ge [sflag:s4], $0x0  }
0x19: {  	s7 =	sld [smem:$0x3F49]  }
0x1a: {  	s8 =	sadd.s32 $0xFFFFE003, lr  }
0x1b: {  	s9 =	sadd.s32 $0xFFFFFEF7, lr;
	s5 =	simm.s32 $0xFFFFFFFF;
	p2 =	slt.u32 s8, $0xFFFFF086  }
0x1c: {  	p1 =	slt.u32 s9, $0xF7A;
	s5 =	simm.s32 @!p2 $0x0  }
0x1d: {  	s5 =	simm.s32 @p1 $0x1;
	p0 =	seq.s32 s7, s2  }
0x1e: {  	s7 =	smul.u32 @!p0 $0xF7A, s2;
	p2 =	seq.s32 @!p0 s5, $0x0  }
0x1f: {  	s9 =	smul.u32 $0xF7A, s1;
	s8 =	simm.s32 @!p0 $0x1BF5;
	p2 =	por !p2, p0  }
0x20: {  	[sflag:s8] =	ssyncset.s32 @!p0 $0xFFFFF086;
	s6 =	sadd.s32 @!p0 s3, s7;
	s7 =	simm.s32 @!p0 $0x108  }
0x21: {  	s3 =	sadd.s32 s3, s9;
	s6 =	sadd.s32 @!p0 $0x88, s6;
	s7 =	simm.s32 @p2 $0x1082  }
0x22: {  	[simem:s7], [sflag:s8] =	dma.local @!p0 [hbm:s6], $0xF7A  }
0x23: {  	s9 =	sor.u32 $0xD0000000, s2;
	s6 =	simm.s32 $0x108;
	_ =	swait.ge @!p0 [sflag:s8], $0x0  }
0x24: {  	s3 =	sadd.s32 $0x88, s3;
	s6 =	simm.s32 @!p1 $0x1082;
	[sflag:s4] =	ssyncset.s32 $0xFFFFF086  }
0x25: {  	[simem:s6], [sflag:s4] =	dma.local [hbm:s3], $0xF7A  }
0x26: {  	[smem:$0x3F49] =	sst s1;
	(tag) =	ssettag s2;
	_ =	strace s9  }
0x27: {  	s1 =	sld [smem:$0x3F59]  }
0x28: {  	s2 =	sld [smem:$0x3F5A]  }
0x29: {  	s4 =	sld [smem:$0x3F5C]  }
0x2a: {  	p0 =	seq.s32 s5, $0x0;
	s5 =	sld [smem:$0x3F5D]  }
0x2b: {  	s6 =	sld [smem:$0x3F5E]  }
0x2c: {  	s7 =	sld [smem:$0x3F5F]  }
0x2d: {  	s3 =	simm.s32 $0x108;
	s8 =	sld [smem:$0x3F60]  }
0x2e: {  	s3 =	simm.s32 @!p0 $0x1082;
	s9 =	sld [smem:$0x3F61]  }
0x2f: {  	lr =	sadd.s32 s0, s3;
	s0 =	sld [smem:$0x3F58]  }
0x30: {  	s3 =	sld [smem:$0x3F5B]  }
0x31: {  	[smem:$0x3F64] =	sst s10  }
0x32: {  	s10 =	sld [smem:$0x3F62];
	_ =	sdelay $0x3  }
0x33: {  	p0 =	seq.s32 s10, $0x1;
	s10 =	sld [smem:$0x3F64];
	_ =	sdelay $0x3  }
0x34: {  	[smem:$0x3F64] =	sst s10  }
0x35: {  	s10 =	sld [smem:$0x3F63];
	_ =	sdelay $0x3  }
0x36: {  	p1 =	seq.s32 s10, $0x1;
	s10 =	sld [smem:$0x3F64];
	_ =	sdelay $0x3  }
0x37: {  	[smem:$0x3F64] =	sst s10  }
0x38: {  	s10 =	sld [smem:$0x3F65]  }
0x39: {  	_ = 	snop;
	(pc) =	sbr.ind lr, $3  }
0x3a: {  	_ = 	snop  }
0x3b: {  	_ = 	snop  }
0x3c: {  	p2 =	seq.s32 s10, $0x1;
	s10 =	sld [smem:$0x3F64]  }
0x3d: {  	_ =	shalt  }
0x3e: {  	_ =	shalt  }
0x3f: {  	_ =	shalt  }
0x40: {  	_ =	shalt  }
0x41: {  	_ =	shalt  }
0x42: {  	_ =	shalt  }
0x43: {  	_ =	shalt  }
0x44: {  	_ =	shalt  }
0x45: {  	_ =	shalt  }
0x46: {  	_ =	shalt  }
0x47: {  	_ =	shalt  }
0x48: {  	_ =	shalt  }
0x49: {  	_ =	shalt  }
0x4a: {  	_ =	shalt  }
0x4b: {  	_ =	shalt  }
0x4c: {  	_ =	shalt  }
0x4d: {  	_ =	shalt  }
0x4e: {  	_ =	shalt  }
0x4f: {  	_ =	shalt  }
0x50: {  	_ =	shalt  }
0x51: {  	_ =	shalt  }
0x52: {  	_ =	shalt  }
0x53: {  	_ =	shalt  }
0x54: {  	_ =	shalt  }
0x55: {  	_ =	shalt  }
0x56: {  	_ =	shalt  }
0x57: {  	_ =	shalt  }
0x58: {  	_ =	shalt  }
0x59: {  	_ =	shalt  }
0x5a: {  	_ =	shalt  }
0x5b: {  	_ =	shalt  }
0x5c: {  	_ =	shalt  }
0x5d: {  	_ =	shalt  }
0x5e: {  	_ =	shalt  }
0x5f: {  	_ =	shalt  }
0x60: {  	_ =	shalt  }
0x61: {  	_ =	shalt  }
0x62: {  	_ =	shalt  }
0x63: {  	_ =	shalt  }
0x64: {  	_ =	shalt  }
0x65: {  	_ =	shalt  }
0x66: {  	_ =	shalt  }
0x67: {  	_ =	shalt  }
0x68: {  	_ =	shalt  }
0x69: {  	_ =	shalt  }
0x6a: {  	_ =	shalt  }
0x6b: {  	_ =	shalt  }
0x6c: {  	_ =	shalt  }
0x6d: {  	_ =	shalt  }
0x6e: {  	_ =	shalt  }
0x6f: {  	_ =	shalt  }
0x70: {  	_ =	shalt  }
0x71: {  	_ =	shalt  }
0x72: {  	_ =	shalt  }
0x73: {  	_ =	shalt  }
0x74: {  	_ =	shalt  }
0x75: {  	_ =	shalt  }
0x76: {  	_ =	shalt  }
0x77: {  	_ =	shalt  }
0x78: {  	_ =	shalt  }
0x79: {  	_ =	shalt  }
0x7a: {  	_ =	shalt  }
0x7b: {  	_ =	shalt  }
0x7c: {  	_ =	shalt  }
0x7d: {  	_ =	shalt  }
0x7e: {  	_ =	shalt  }
0x7f: {  	_ =	shalt  }
0x80: {  	_ =	shalt  }
0x81: {  	_ =	shalt  }
0x82: {  	_ =	shalt  }
0x83: {  	_ =	shalt  }
0x84: {  	_ =	shalt  }
0x85: {  	_ =	shalt  }
0x86: {  	_ =	shalt  }
0x87: {  	_ =	shalt  }
.Lfunc_end0:
.L_simem_size_0:
called_computation.1_lowered:
.L_overlay_start_0:
0x88: {  	s2 =	sld [smem:$0x3FD9]  }
0x89: {  	s3 =	sld [smem:$0x3FFE];
	_ =	sdelay $0x1  }
0x8a: {  	s1 =	srdreg.scid  }
0x8b: {  	s0 =	sand.u32 $0x1, s1  }
0x8c: {  	s16 =	sshll.u32 s0, $0xA;
	s2 =	sadd.s32 s3, s2  }
0x8d: {  	s2 =	sadd.s32 s2, s16  }
0x8e: {  	[smem:$0x3F70] =	sst s2  }
0x8f: {  	_ = 	snop  }
0x90: {  	(tm) =	ssettm $0x1  }
0x91: {  	s17 =	sld [smem:$0x3FFB];
	_ =	sdelay $0x3  }
0x92: {  	_ =	strace s17  }
0x93: {  	s2 =	sld [smem:$0x3FFC];
	_ =	sdelay $0x3  }
0x94: {  	_ =	strace s2  }
0x95: {  	s2 =	sld [smem:$0x3FFD];
	_ =	sdelay $0x3  }
0x96: {  	_ =	strace s2  }
0x97: {  	_ =	strace $0x8FFFFFFF  }
0x98: {  	s18 =	sld [smem:$0x3FDB];
	_ =	sdelay $0x1  }
0x99: {  	s19 =	simm.s32 $_scs_section_size  }
0x9a: {  	s4 =	simm.s32 $_size__tile_overlayer_lowered;
	s5 =	simm.s32 $_tile_overlayer_lowered  }
0x9b: {  	s22 =	simm.s32 $0x1BFF;
	s21 =	sshll.u32 s5, $0x1;
	s2 =	sadd.s32 s19, s18  }
0x9c: {  	s6 =	simm.s32 $0x0;
	s20 =	sshll.u32 s4, $0x1;
	s4 =	sadd.s32 s21, s2  }
0x9d: {  	[timem:s6], [sflag:s22] =	dma.local [hbm:s4], s20  }
0x9e: {  	_ =	swait.ge [sflag:s22], s20  }
0x9f: {  	s3 =	ssub.s32 $0x0, s20;
	[sflag:s22] =	ssyncset.done $0x0  }
0xa0: {  	[sflag:s22] =	ssyncadd.s32 s3;
	_ =	sdelay $0x1  }
0xa1: {  	s23 =	simm.s32 $0x1B8B  }
0xa2: {  	_ =	swait.ge [sflag:s23], $0x1  }
0xa3: {  	[sflag:s23] =	ssyncset.done $0x0  }
0xa4: {  	s25 =	simm.s32 $0x1B8E;
	s24 =	sld [smem:$0x3FFE];
	[sflag:s23] =	ssyncadd.s32 $0xFFFFFFFF  }
0xa5: {  	s26 =	simm.s32 $execute0_lowered;
	[smem:$0x3FD2] =	sst s25  }
0xa6: {  	s4 =	sshll.u32 s26, $0x1;
	_ =	strace $0x80000049;
	[dreg:$0x1] =	wrdreg $0xFFFFFFFF  }
0xa7: {  	s28 =	simm.s32 $_size_execute0_lowered;
	s2 =	sadd.s32 s2, s4;
	[dreg:$0x0] =	wrdreg $0x0  }
0xa8: {  	s4 =	sshll.u32 s28, $0x1;
	[dreg:$0x2] =	wrdreg s2  }
0xa9: {  	[dreg:$0x3] =	wrdreg s4  }
0xaa: {  	[dreg:$0x4] =	wrdreg $0xC0  }
0xab: {  	_ =	task [dreg:s6], $0x5FFFF  }
0xac: {  	[dreg:$0x1] =	wrdreg $0xFFFFFFFF  }
0xad: {  	[dreg:$0x0] =	wrdreg $0x60  }
0xae: {  	[dreg:$0x2] =	wrdreg s24  }
0xaf: {  	[dreg:$0x3] =	wrdreg $0x9  }
0xb0: {  	_ =	task.clear_ibuf [dreg:s6], $0x4FFFF;
	_ =	strace $0x90000049  }
0xb1: {  	s29 =	simm.s32 $0x9;
	_ =	strace $0x8000004B  }
0xb2: {  	_ =	swait.ge [sflag:s29], $0x1  }
0xb3: {  	[sflag:s29] =	ssyncadd.s32 $0xFFFFFFFF  }
0xb4: {  	_ =	strace $0x9000004B  }
0xb5: {  	_ =	sfence  }
0xb6: {  	s30 =	sld [smem:$0x0];
	_ =	sdelay $0x2  }
0xb7: {  	s31 =	sshll.u32 s1, $0xD;
	s1 =	sshrl.u32 s1, $0x2  }
0xb8: {  	s3 =	sand.u32 $0x4000, s31;
	s1 =	sadd.s32 s1, s30  }
0xb9: {  	s0 =	sor.u32 s3, s0;
	s1 =	sshll.u32 s1, $0x11  }
0xba: {  	s0 =	sor.u32 s1, s0  }
0xbb: {  	s0 =	sadd.s32 $0x8F2B, s0  }
0xbc: {  	[sflag:s0] =	ssyncadd.remote.s32 $0x1  }
0xbd: {  	_ =	sfence.sel $0xFFFF  }
0xbe: {  	[dreg:$0x0] =	wrdreg $0xFFFFFFFF;
	(pc) =	sbr.abs _section_cstart, $3  }
0xbf: {  	[dreg:$0x1] =	wrdreg $0xFFFFFFFF  }
0xc0: {  	_ =	task.clear_ibuf [dreg:s6], $0x2FFFF;
	_ =	strace $0x9FFFFFFF  }
0xc1: {  	(tm) =	ssettm $0x7FFFFFFF  }
tec
execute0_lowered:
.L_overlay_start_1:
0x0: {  	(tag) =	ssettag $0x1  }
0x1: {  	s20 =	rddreg [dreg:$0x0]  }
0x2: {  	s1 =	stileid.u32;
	s2 =	srdreg.scid  }
0x3: {  	s0 =	rddreg [dreg:$0x1];
	s3 =	sshll.u32 s1, $0x7;
	s21 =	sand.u32 $0x1, s2  }
0x4: {  	s2 =	simm.s32 $0x0;
	s3 =	sadd.s32 s3, s20;
	s4 =	sshll.u32 s21, $0xB  }
0x5: {  	[smem:$0x7FF] =	sst s2;
	s3 =	sadd.s32 s4, s3  }
0x6: {  	_ =	strace $0x8000004A;
	s4 =	sadd.s32 $0x80000, s3;
	s3 =	simm.s32 $0x2  }
0x7: {  	[tilespmem:s2], [sflag:$0x2] =	stream.linear.gather [hbm4b:s4+s2], $0x380, $0x38;
	[tilespmem:$0x1C400] =	vst v63  }
0x8: {  	_ =	swait.ge [sflag:s3], $0x380  }
0x9: {  	s6 =	simm.s32 $0x80;
	[sflag:s3] =	ssyncset.done $0x0  }
0xa: {  	s7 =	simm.s32 $0x400;
	s5 =	sadd.s32 $0xF000, s20;
	[sflag:s3] =	ssyncadd.s32 $0xFFFFFC80  }
0xb: {  	[tilespmem:s7], [sflag:$0x1] =	stream.indirect.gather [hbm4b:s5+s6], $0x80, s2, s6, $0xb8;
	[tilespmem:$0x1C400] =	vst v63  }
0xc: {  	s8 =	simm.s32 $0x4400  }
0xd: {  	[tilespmem:s8], [sflag:$0x1] =	stream.indirect.gather [hbm4b:s5+s6], $0x80, s6, s6, $0xb8;
	[tilespmem:$0x1C400] =	vst v63  }
0xe: {  	s9 =	simm.s32 $0x100;
	s10 =	simm.s32 $0x8400  }
0xf: {  	[tilespmem:s10], [sflag:$0x1] =	stream.indirect.gather [hbm4b:s5+s6], $0x80, s9, s6, $0xb8;
	[tilespmem:$0x1C400] =	vst v63  }
0x10: {  	s11 =	simm.s32 $0x180;
	s12 =	simm.s32 $0xC400  }
0x11: {  	[tilespmem:s12], [sflag:$0x1] =	stream.indirect.gather [hbm4b:s5+s6], $0x80, s11, s6, $0xb8;
	[tilespmem:$0x1C400] =	vst v63  }
0x12: {  	s13 =	simm.s32 $0x200;
	s14 =	simm.s32 $0x10400  }
0x13: {  	[tilespmem:s14], [sflag:$0x1] =	stream.indirect.gather [hbm4b:s5+s6], $0x80, s13, s6, $0xb8;
	[tilespmem:$0x1C400] =	vst v63  }
0x14: {  	s15 =	simm.s32 $0x280;
	s16 =	simm.s32 $0x14400  }
0x15: {  	[tilespmem:s16], [sflag:$0x1] =	stream.indirect.gather [hbm4b:s5+s6], $0x80, s15, s6, $0xb8;
	[tilespmem:$0x1C400] =	vst v63  }
0x16: {  	s17 =	simm.s32 $0x300;
	s18 =	simm.s32 $0x18400;
	s19 =	simm.s32 $0x1  }
0x17: {  	[tilespmem:s18], [sflag:$0x1] =	stream.indirect.gather [hbm4b:s5+s6], $0x80, s17, s6, $0xb8;
	[tilespmem:$0x1C400] =	vst v63  }
0x18: {  	_ =	swait.ge [sflag:s19], $0x4000  }
0x19: {  	[sflag:s19] =	ssyncset.done $0x0  }
0x1a: {  	[sflag:s19] =	ssyncadd.s32 $0xFFFFC000  }
0x1b: {  	_ =	swait.ge [sflag:s19], $0x4000  }
0x1c: {  	[sflag:s19] =	ssyncset.done $0x0  }
0x1d: {  	[sflag:s19] =	ssyncadd.s32 $0xFFFFC000  }
0x1e: {  	_ =	swait.ge [sflag:s19], $0x4000  }
0x1f: {  	[sflag:s19] =	ssyncset.done $0x0  }
0x20: {  	[sflag:s19] =	ssyncadd.s32 $0xFFFFC000  }
0x21: {  	_ =	swait.ge [sflag:s19], $0x4000  }
0x22: {  	[sflag:s19] =	ssyncset.done $0x0  }
0x23: {  	[sflag:s19] =	ssyncadd.s32 $0xFFFFC000  }
0x24: {  	_ =	swait.ge [sflag:s19], $0x4000  }
0x25: {  	[sflag:s19] =	ssyncset.done $0x0  }
0x26: {  	s22 =	smul.u32 $0x1C0000, s21;
	s21 =	ssub.s32 $0x2, s21;
	[sflag:s19] =	ssyncadd.s32 $0xFFFFC000  }
0x27: {  	s23 =	smul.u32 $0x1C000, s1;
	s31 =	sshrl.u32 s21, $0x1;
	_ =	swait.ge [sflag:s19], $0x4000  }
0x28: {  	s21 =	ssub.s32 s21, s31;
	[sflag:s19] =	ssyncset.done $0x0  }
0x29: {  	s22 =	sadd.s32 s23, s22;
	s21 =	smax.u32 s21, $0x1;
	[sflag:s19] =	ssyncadd.s32 $0xFFFFC000  }
0x2a: {  	s22 =	sshrl.u32 s22, $0x3;
	p0 =	sne.s32 s21, $0x1;
	_ =	swait.ge [sflag:s19], $0x4000  }
.Ltmp0:
0x2b: {  	s20 =	sadd.s32 s22, s20;
	[sflag:s19] =	ssyncset.done $0x0;
	(pc) =	sbr.rel @!p0 .LBB2_2-.Ltmp0, $4  }
0x2c: {  	s20 =	sadd.s32 $0x81000, s20;
	[sflag:s19] =	ssyncadd.s32 $0xFFFFC000  }
0x2d: {  	[hbm4b:s20+s2] =	stream.linear.scatter [tilespmem:s7], [sflag:$0x2], $0x1C000, $0x38;
	[tilespmem:$0x1C400] =	vst v63  }
0x2e: {  	_ =	swait.ge [sflag:s3], $0x1C000  }
0x2f: {  	s21 =	sadd.s32 $0xFFFFFFFF, s21;
	[sflag:s3] =	ssyncset.done $0x0  }
.LBB2_1:
0x30: {  	p0 =	sne.s32 s21, $0x1;
	s21 =	sadd.s32 $0xFFFFFFFF, s21;
	[sflag:s3] =	ssyncadd.s32 $0xFFFE4000  }
0x31: {  	[tilespmem:s2], [sflag:$0x2] =	stream.linear.gather [hbm4b:s4+s2], $0x380, $0x38;
	[tilespmem:$0x1C400] =	vst v63  }
0x32: {  	_ =	swait.ge [sflag:s3], $0x380  }
0x33: {  	[sflag:s3] =	ssyncset.done $0x0  }
0x34: {  	[sflag:s3] =	ssyncadd.s32 $0xFFFFFC80  }
0x35: {  	[tilespmem:s7], [sflag:$0x1] =	stream.indirect.gather [hbm4b:s5+s6], $0x80, s2, s6, $0xb8;
	[tilespmem:$0x1C400] =	vst v63  }
0x36: {  	_ = 	snop  }
0x37: {  	[tilespmem:s8], [sflag:$0x1] =	stream.indirect.gather [hbm4b:s5+s6], $0x80, s6, s6, $0xb8;
	[tilespmem:$0x1C400] =	vst v63  }
0x38: {  	_ = 	snop  }
0x39: {  	[tilespmem:s10], [sflag:$0x1] =	stream.indirect.gather [hbm4b:s5+s6], $0x80, s9, s6, $0xb8;
	[tilespmem:$0x1C400] =	vst v63  }
0x3a: {  	_ = 	snop  }
0x3b: {  	[tilespmem:s12], [sflag:$0x1] =	stream.indirect.gather [hbm4b:s5+s6], $0x80, s11, s6, $0xb8;
	[tilespmem:$0x1C400] =	vst v63  }
0x3c: {  	_ = 	snop  }
0x3d: {  	[tilespmem:s14], [sflag:$0x1] =	stream.indirect.gather [hbm4b:s5+s6], $0x80, s13, s6, $0xb8;
	[tilespmem:$0x1C400] =	vst v63  }
0x3e: {  	_ = 	snop  }
0x3f: {  	[tilespmem:s16], [sflag:$0x1] =	stream.indirect.gather [hbm4b:s5+s6], $0x80, s15, s6, $0xb8;
	[tilespmem:$0x1C400] =	vst v63  }
0x40: {  	_ = 	snop  }
0x41: {  	[tilespmem:s18], [sflag:$0x1] =	stream.indirect.gather [hbm4b:s5+s6], $0x80, s17, s6, $0xb8;
	[tilespmem:$0x1C400] =	vst v63  }
0x42: {  	_ =	swait.ge [sflag:s19], $0x4000  }
0x43: {  	[sflag:s19] =	ssyncset.done $0x0  }
0x44: {  	[sflag:s19] =	ssyncadd.s32 $0xFFFFC000  }
0x45: {  	_ =	swait.ge [sflag:s19], $0x4000  }
0x46: {  	[sflag:s19] =	ssyncset.done $0x0  }
0x47: {  	[sflag:s19] =	ssyncadd.s32 $0xFFFFC000  }
0x48: {  	_ =	swait.ge [sflag:s19], $0x4000  }
0x49: {  	[sflag:s19] =	ssyncset.done $0x0  }
0x4a: {  	[sflag:s19] =	ssyncadd.s32 $0xFFFFC000  }
0x4b: {  	_ =	swait.ge [sflag:s19], $0x4000  }
0x4c: {  	[sflag:s19] =	ssyncset.done $0x0  }
0x4d: {  	[sflag:s19] =	ssyncadd.s32 $0xFFFFC000  }
0x4e: {  	_ =	swait.ge [sflag:s19], $0x4000  }
0x4f: {  	[sflag:s19] =	ssyncset.done $0x0  }
0x50: {  	[sflag:s19] =	ssyncadd.s32 $0xFFFFC000  }
0x51: {  	_ =	swait.ge [sflag:s19], $0x4000  }
0x52: {  	[sflag:s19] =	ssyncset.done $0x0  }
0x53: {  	[sflag:s19] =	ssyncadd.s32 $0xFFFFC000  }
0x54: {  	_ =	swait.ge [sflag:s19], $0x4000  }
.Ltmp1:
0x55: {  	[sflag:s19] =	ssyncset.done $0x0;
	(pc) =	sbr.rel @p0 .LBB2_1-.Ltmp1, $4  }
0x56: {  	[sflag:s19] =	ssyncadd.s32 $0xFFFFC000  }
0x57: {  	[hbm4b:s20+s2] =	stream.linear.scatter [tilespmem:s7], [sflag:$0x2], $0x1C000, $0x38;
	[tilespmem:$0x1C400] =	vst v63  }
0x58: {  	_ =	swait.ge [sflag:s3], $0x1C000  }
0x59: {  	[sflag:s3] =	ssyncset.done $0x0  }
.LBB2_2:
0x5a: {  	[sflag:s3] =	ssyncadd.s32 $0xFFFE4000  }
0x5b: {  	_ =	sfence.sel $0x180000  }
0x5c: {  	[bflag:$0x0] =	sbarrier.arrive $0xFFFF  }
0x5d: {  	p0 =	sne.s32 s1, $0x0;
	_ =	strace $0x9000004A  }
0x5e: {  	s0 =	sadd.s32 @!p0 $0x100000, s0;
	[bflag:$0x2] =	sbarrier.arrive $0xFFFF  }
0x5f: {  	[sflag:s0] =	ssyncadd.tile.s32 @!p0 $0x1;
	_ =	shalt  }
.Lfunc_end2:
_tile_overlayer_lowered:
.L_overlay_start_2:
0x60: {  	(tag) =	ssettag $0x2  }
0x61: {  	s0 =	rddreg [dreg:$0x0];
	s2 =	stileid.u32  }
0x62: {  	s1 =	rddreg [dreg:$0x1];
	p0 =	sne.s32 s2, $0x0  }
0x63: {  	s3 =	rddreg [dreg:$0x2];
	[bflag:$0x3] =	sbarrier.arrive $0xFFFF;
	s2 =	simm.s32 @!p0 $0x1C02  }
0x64: {  	[timem:s3], [sflag:s2] =	dma.local @!p0 [hbm:s0], s1  }
0x65: {  	s0 =	simm.s32 @!p0 $0x2  }
0x66: {  	_ =	swait.ge @!p0 [sflag:s0], s1  }
0x67: {  	s1 =	ssub.s32 @!p0 $0x0, s1;
	[sflag:s0] =	ssyncset.done @!p0 $0x0  }
0x68: {  	[sflag:s0] =	ssyncadd.s32 @!p0 s1  }
0x69: {  	[bflag:$0x3] =	sbarrier.arrive $0xFFFF  }
0x6a: {  	_ =	shalt  }

// kernel: kernel.15.cloned.1.call-start
scs
__scs_entry_jumppad:
0x0: {  	(pc) =	sbr.rel $0x88, $3  }
0x1: {  	(tag) =	ssettag $0x0;
	lr =	simm.s32 $0x1  }
0x2: {  	[smem:$0x3F49] =	sst lr;
	_ =	strace $0xD0000000  }
0x3: {  	_ = 	snop  }
0x4: {  	_ = 	snop  }
0x5: {  	_ = 	snop  }
0x6: {  	_ = 	snop  }
0x7: {  	_ = 	snop  }
__scs_overlays_trampoline_lowered:
0x8: {  	[smem:$0x3F58] =	sst s0  }
0x9: {  	[smem:$0x3F59] =	sst s1  }
0xa: {  	[smem:$0x3F5A] =	sst s2  }
0xb: {  	[smem:$0x3F5B] =	sst s3  }
0xc: {  	[smem:$0x3F5C] =	sst s4  }
0xd: {  	[smem:$0x3F5D] =	sst s5  }
0xe: {  	[smem:$0x3F5E] =	sst s6  }
0xf: {  	[smem:$0x3F5F] =	sst s7  }
0x10: {  	[smem:$0x3F60] =	sst s8  }
0x11: {  	[smem:$0x3F61] =	sst s9;
	s0 =	simm.s32 @!p0 $0x0  }
0x12: {  	s1 =	sld [smem:$0x3F47];
	s0 =	simm.s32 @p0 $0x1  }
0x13: {  	[smem:$0x3F62] =	sst s0;
	s0 =	simm.s32 @!p1 $0x0  }
0x14: {  	s2 =	sld [smem:$0x3F46];
	s0 =	simm.s32 @p1 $0x1  }
0x15: {  	[smem:$0x3F63] =	sst s0;
	s0 =	simm.s32 @!p2 $0x0  }
0x16: {  	s3 =	sld [smem:$0x3FDB];
	s0 =	simm.s32 @p2 $0x1  }
0x17: {  	s4 =	simm.s32 $0x1BF5;
	[smem:$0x3F65] =	sst s0  }
0x18: {  	s0 =	sld [smem:$0x3F48];
	_ =	swait.ge [sflag:s4], $0x0  }
0x19: {  	s7 =	sld [smem:$0x3F49]  }
0x1a: {  	s8 =	sadd.s32 $0xFFFFE003, lr  }
0x1b: {  	s9 =	sadd.s32 $0xFFFFFEF7, lr;
	s5 =	simm.s32 $0xFFFFFFFF;
	p2 =	slt.u32 s8, $0xFFFFF086  }
0x1c: {  	p1 =	slt.u32 s9, $0xF7A;
	s5 =	simm.s32 @!p2 $0x0  }
0x1d: {  	s5 =	simm.s32 @p1 $0x1;
	p0 =	seq.s32 s7, s2  }
0x1e: {  	s7 =	smul.u32 @!p0 $0xF7A, s2;
	p2 =	seq.s32 @!p0 s5, $0x0  }
0x1f: {  	s9 =	smul.u32 $0xF7A, s1;
	s8 =	simm.s32 @!p0 $0x1BF5;
	p2 =	por !p2, p0  }
0x20: {  	[sflag:s8] =	ssyncset.s32 @!p0 $0xFFFFF086;
	s6 =	sadd.s32 @!p0 s3, s7;
	s7 =	simm.s32 @!p0 $0x108  }
0x21: {  	s3 =	sadd.s32 s3, s9;
	s6 =	sadd.s32 @!p0 $0x88, s6;
	s7 =	simm.s32 @p2 $0x1082  }
0x22: {  	[simem:s7], [sflag:s8] =	dma.local @!p0 [hbm:s6], $0xF7A  }
0x23: {  	s9 =	sor.u32 $0xD0000000, s2;
	s6 =	simm.s32 $0x108;
	_ =	swait.ge @!p0 [sflag:s8], $0x0  }
0x24: {  	s3 =	sadd.s32 $0x88, s3;
	s6 =	simm.s32 @!p1 $0x1082;
	[sflag:s4] =	ssyncset.s32 $0xFFFFF086  }
0x25: {  	[simem:s6], [sflag:s4] =	dma.local [hbm:s3], $0xF7A  }
0x26: {  	[smem:$0x3F49] =	sst s1;
	(tag) =	ssettag s2;
	_ =	strace s9  }
0x27: {  	s1 =	sld [smem:$0x3F59]  }
0x28: {  	s2 =	sld [smem:$0x3F5A]  }
0x29: {  	s4 =	sld [smem:$0x3F5C]  }
0x2a: {  	p0 =	seq.s32 s5, $0x0;
	s5 =	sld [smem:$0x3F5D]  }
0x2b: {  	s6 =	sld [smem:$0x3F5E]  }
0x2c: {  	s7 =	sld [smem:$0x3F5F]  }
0x2d: {  	s3 =	simm.s32 $0x108;
	s8 =	sld [smem:$0x3F60]  }
0x2e: {  	s3 =	simm.s32 @!p0 $0x1082;
	s9 =	sld [smem:$0x3F61]  }
0x2f: {  	lr =	sadd.s32 s0, s3;
	s0 =	sld [smem:$0x3F58]  }
0x30: {  	s3 =	sld [smem:$0x3F5B]  }
0x31: {  	[smem:$0x3F64] =	sst s10  }
0x32: {  	s10 =	sld [smem:$0x3F62];
	_ =	sdelay $0x3  }
0x33: {  	p0 =	seq.s32 s10, $0x1;
	s10 =	sld [smem:$0x3F64];
	_ =	sdelay $0x3  }
0x34: {  	[smem:$0x3F64] =	sst s10  }
0x35: {  	s10 =	sld [smem:$0x3F63];
	_ =	sdelay $0x3  }
0x36: {  	p1 =	seq.s32 s10, $0x1;
	s10 =	sld [smem:$0x3F64];
	_ =	sdelay $0x3  }
0x37: {  	[smem:$0x3F64] =	sst s10  }
0x38: {  	s10 =	sld [smem:$0x3F65]  }
0x39: {  	_ = 	snop;
	(pc) =	sbr.ind lr, $3  }
0x3a: {  	_ = 	snop  }
0x3b: {  	_ = 	snop  }
0x3c: {  	p2 =	seq.s32 s10, $0x1;
	s10 =	sld [smem:$0x3F64]  }
0x3d: {  	_ =	shalt  }
0x3e: {  	_ =	shalt  }
0x3f: {  	_ =	shalt  }
0x40: {  	_ =	shalt  }
0x41: {  	_ =	shalt  }
0x42: {  	_ =	shalt  }
0x43: {  	_ =	shalt  }
0x44: {  	_ =	shalt  }
0x45: {  	_ =	shalt  }
0x46: {  	_ =	shalt  }
0x47: {  	_ =	shalt  }
0x48: {  	_ =	shalt  }
0x49: {  	_ =	shalt  }
0x4a: {  	_ =	shalt  }
0x4b: {  	_ =	shalt  }
0x4c: {  	_ =	shalt  }
0x4d: {  	_ =	shalt  }
0x4e: {  	_ =	shalt  }
0x4f: {  	_ =	shalt  }
0x50: {  	_ =	shalt  }
0x51: {  	_ =	shalt  }
0x52: {  	_ =	shalt  }
0x53: {  	_ =	shalt  }
0x54: {  	_ =	shalt  }
0x55: {  	_ =	shalt  }
0x56: {  	_ =	shalt  }
0x57: {  	_ =	shalt  }
0x58: {  	_ =	shalt  }
0x59: {  	_ =	shalt  }
0x5a: {  	_ =	shalt  }
0x5b: {  	_ =	shalt  }
0x5c: {  	_ =	shalt  }
0x5d: {  	_ =	shalt  }
0x5e: {  	_ =	shalt  }
0x5f: {  	_ =	shalt  }
0x60: {  	_ =	shalt  }
0x61: {  	_ =	shalt  }
0x62: {  	_ =	shalt  }
0x63: {  	_ =	shalt  }
0x64: {  	_ =	shalt  }
0x65: {  	_ =	shalt  }
0x66: {  	_ =	shalt  }
0x67: {  	_ =	shalt  }
0x68: {  	_ =	shalt  }
0x69: {  	_ =	shalt  }
0x6a: {  	_ =	shalt  }
0x6b: {  	_ =	shalt  }
0x6c: {  	_ =	shalt  }
0x6d: {  	_ =	shalt  }
0x6e: {  	_ =	shalt  }
0x6f: {  	_ =	shalt  }
0x70: {  	_ =	shalt  }
0x71: {  	_ =	shalt  }
0x72: {  	_ =	shalt  }
0x73: {  	_ =	shalt  }
0x74: {  	_ =	shalt  }
0x75: {  	_ =	shalt  }
0x76: {  	_ =	shalt  }
0x77: {  	_ =	shalt  }
0x78: {  	_ =	shalt  }
0x79: {  	_ =	shalt  }
0x7a: {  	_ =	shalt  }
0x7b: {  	_ =	shalt  }
0x7c: {  	_ =	shalt  }
0x7d: {  	_ =	shalt  }
0x7e: {  	_ =	shalt  }
0x7f: {  	_ =	shalt  }
0x80: {  	_ =	shalt  }
0x81: {  	_ =	shalt  }
0x82: {  	_ =	shalt  }
0x83: {  	_ =	shalt  }
0x84: {  	_ =	shalt  }
0x85: {  	_ =	shalt  }
0x86: {  	_ =	shalt  }
0x87: {  	_ =	shalt  }
.Lfunc_end0:
.L_simem_size_0:
called_computation.2_lowered:
.L_overlay_start_0:
0x88: {  	s2 =	sld [smem:$0x3FD9]  }
0x89: {  	s3 =	sld [smem:$0x3FFE];
	_ =	sdelay $0x1  }
0x8a: {  	s1 =	srdreg.scid  }
0x8b: {  	s0 =	sand.u32 $0x1, s1  }
0x8c: {  	s17 =	sshll.u32 s0, $0xA;
	s2 =	sadd.s32 s3, s2  }
0x8d: {  	s2 =	sadd.s32 s2, s17  }
0x8e: {  	[smem:$0x3F70] =	sst s2  }
0x8f: {  	_ = 	snop  }
0x90: {  	s2 =	sld [smem:$0x3FD0];
	(tm) =	ssettm $0x1  }
0x91: {  	s18 =	sld [smem:$0x3FFB];
	_ =	sdelay $0x3  }
0x92: {  	_ =	strace s18  }
0x93: {  	s3 =	sld [smem:$0x3FFC];
	_ =	sdelay $0x3  }
0x94: {  	_ =	strace s3  }
0x95: {  	s3 =	sld [smem:$0x3FFD];
	_ =	sdelay $0x3  }
0x96: {  	_ =	strace s3  }
0x97: {  	_ =	strace $0x8FFFFFFF  }
0x98: {  	s19 =	sld [smem:$0x3FDB];
	_ =	sdelay $0x1  }
0x99: {  	s4 =	simm.s32 $_scs_section_size  }
0x9a: {  	s5 =	simm.s32 $_size__tile_overlayer_lowered;
	s6 =	simm.s32 $_tile_overlayer_lowered  }
0x9b: {  	s22 =	simm.s32 $0x1BFF;
	s21 =	sshll.u32 s6, $0x1;
	s3 =	sadd.s32 s4, s19  }
0x9c: {  	s7 =	simm.s32 $0x0;
	s20 =	sshll.u32 s5, $0x1;
	s5 =	sadd.s32 s21, s3  }
0x9d: {  	[timem:s7], [sflag:s22] =	dma.local [hbm:s5], s20  }
0x9e: {  	_ =	swait.ge [sflag:s22], s20  }
0x9f: {  	s4 =	ssub.s32 $0x0, s20;
	[sflag:s22] =	ssyncset.done $0x0  }
0xa0: {  	[sflag:s22] =	ssyncadd.s32 s4;
	_ =	sdelay $0x1  }
0xa1: {  	s23 =	simm.s32 $0x1B8B  }
0xa2: {  	_ =	swait.ge [sflag:s23], $0x1  }
0xa3: {  	[sflag:s23] =	ssyncset.done $0x0  }
0xa4: {  	s25 =	simm.s32 $0x1B8E;
	s24 =	sld [smem:$0x3FFE];
	[sflag:s23] =	ssyncadd.s32 $0xFFFFFFFF  }
0xa5: {  	s26 =	simm.s32 $execute0_lowered;
	[smem:$0x3FD2] =	sst s25  }
0xa6: {  	s5 =	sshll.u32 s26, $0x1;
	_ =	strace $0x8000004C;
	[dreg:$0x1] =	wrdreg $0xFFFFFFFF  }
0xa7: {  	s28 =	simm.s32 $_size_execute0_lowered;
	s3 =	sadd.s32 s3, s5;
	[dreg:$0x0] =	wrdreg $0x0  }
0xa8: {  	s5 =	sshll.u32 s28, $0x1;
	[dreg:$0x2] =	wrdreg s3  }
0xa9: {  	[dreg:$0x3] =	wrdreg s5  }
0xaa: {  	[dreg:$0x4] =	wrdreg $0xC0  }
0xab: {  	_ =	task [dreg:s7], $0x5FFFF  }
0xac: {  	[dreg:$0x1] =	wrdreg $0xFFFFFFFF  }
0xad: {  	[dreg:$0x0] =	wrdreg $0x60  }
0xae: {  	[dreg:$0x2] =	wrdreg s2  }
0xaf: {  	[dreg:$0x3] =	wrdreg s24  }
0xb0: {  	[dreg:$0x4] =	wrdreg $0x9  }
0xb1: {  	_ =	task.clear_ibuf [dreg:s7], $0x5FFFF;
	_ =	strace $0x9000004C  }
0xb2: {  	s29 =	simm.s32 $0x9;
	_ =	strace $0x8000004E  }
0xb3: {  	_ =	swait.ge [sflag:s29], $0x1  }
0xb4: {  	[sflag:s29] =	ssyncadd.s32 $0xFFFFFFFF  }
0xb5: {  	_ =	strace $0x9000004E  }
0xb6: {  	_ =	sfence  }
0xb7: {  	s30 =	sld [smem:$0x0];
	_ =	sdelay $0x2  }
0xb8: {  	s31 =	sshll.u32 s1, $0xD;
	s1 =	sshrl.u32 s1, $0x2  }
0xb9: {  	s3 =	sand.u32 $0x4000, s31;
	s1 =	sadd.s32 s1, s30  }
0xba: {  	s0 =	sor.u32 s3, s0;
	s1 =	sshll.u32 s1, $0x11  }
0xbb: {  	s0 =	sor.u32 s1, s0  }
0xbc: {  	s0 =	sadd.s32 $0x8F2B, s0  }
0xbd: {  	[sflag:s0] =	ssyncadd.remote.s32 $0x1  }
0xbe: {  	_ =	sfence.sel $0xFFFF  }
0xbf: {  	[dreg:$0x0] =	wrdreg $0xFFFFFFFF;
	(pc) =	sbr.abs _section_cstart, $3  }
0xc0: {  	[dreg:$0x1] =	wrdreg $0xFFFFFFFF  }
0xc1: {  	_ =	task.clear_ibuf [dreg:s7], $0x2FFFF;
	_ =	strace $0x9FFFFFFF  }
0xc2: {  	(tm) =	ssettm $0x7FFFFFFF  }
0xc3: {  	_ =	shalt  }
tec
execute0_lowered:
.L_overlay_start_1:
0x0: {  	(tag) =	ssettag $0x1  }
0x1: {  	s2 =	rddreg [dreg:$0x0]  }
0x2: {  	s20 =	rddreg [dreg:$0x1]  }
0x3: {  	s1 =	stileid.u32;
	s3 =	srdreg.scid  }
0x4: {  	s0 =	rddreg [dreg:$0x2];
	s4 =	sshll.u32 s1, $0x7;
	s21 =	sand.u32 $0x1, s3  }
0x5: {  	s3 =	simm.s32 $0x0;
	s4 =	sadd.s32 s4, s20;
	s5 =	sshll.u32 s21, $0xB  }
0x6: {  	[smem:$0x7FF] =	sst s3;
	s4 =	sadd.s32 s5, s4  }
0x7: {  	_ =	strace $0x8000004D;
	s5 =	sadd.s32 $0x40000, s4;
	s4 =	simm.s32 $0x2  }
0x8: {  	[tilespmem:s3], [sflag:$0x2] =	stream.linear.gather [hbm4b:s5+s3], $0x380, $0x38;
	[tilespmem:$0x1C400] =	vst v63  }
0x9: {  	_ =	swait.ge [sflag:s4], $0x380  }
0xa: {  	[sflag:s4] =	ssyncset.done $0x0  }
0xb: {  	s6 =	simm.s32 $0x80;
	s7 =	simm.s32 $0x400;
	[sflag:s4] =	ssyncadd.s32 $0xFFFFFC80  }
0xc: {  	[tilespmem:s7], [sflag:$0x1] =	stream.indirect.gather [hbm4b:s2+s6], $0x80, s3, s6, $0xb8;
	[tilespmem:$0x1C400] =	vst v63  }
0xd: {  	s8 =	simm.s32 $0x4400  }
0xe: {  	[tilespmem:s8], [sflag:$0x1] =	stream.indirect.gather [hbm4b:s2+s6], $0x80, s6, s6, $0xb8;
	[tilespmem:$0x1C400] =	vst v63  }
0xf: {  	s9 =	simm.s32 $0x100;
	s10 =	simm.s32 $0x8400  }
0x10: {  	[tilespmem:s10], [sflag:$0x1] =	stream.indirect.gather [hbm4b:s2+s6], $0x80, s9, s6, $0xb8;
	[tilespmem:$0x1C400] =	vst v63  }
0x11: {  	s11 =	simm.s32 $0x180;
	s12 =	simm.s32 $0xC400  }
0x12: {  	[tilespmem:s12], [sflag:$0x1] =	stream.indirect.gather [hbm4b:s2+s6], $0x80, s11, s6, $0xb8;
	[tilespmem:$0x1C400] =	vst v63  }
0x13: {  	s13 =	simm.s32 $0x200;
	s14 =	simm.s32 $0x10400  }
0x14: {  	[tilespmem:s14], [sflag:$0x1] =	stream.indirect.gather [hbm4b:s2+s6], $0x80, s13, s6, $0xb8;
	[tilespmem:$0x1C400] =	vst v63  }
0x15: {  	s15 =	simm.s32 $0x280;
	s16 =	simm.s32 $0x14400  }
0x16: {  	[tilespmem:s16], [sflag:$0x1] =	stream.indirect.gather [hbm4b:s2+s6], $0x80, s15, s6, $0xb8;
	[tilespmem:$0x1C400] =	vst v63  }
0x17: {  	s17 =	simm.s32 $0x300;
	s18 =	simm.s32 $0x18400;
	s19 =	simm.s32 $0x1  }
0x18: {  	[tilespmem:s18], [sflag:$0x1] =	stream.indirect.gather [hbm4b:s2+s6], $0x80, s17, s6, $0xb8;
	[tilespmem:$0x1C400] =	vst v63  }
0x19: {  	_ =	swait.ge [sflag:s19], $0x4000  }
0x1a: {  	[sflag:s19] =	ssyncset.done $0x0  }
0x1b: {  	[sflag:s19] =	ssyncadd.s32 $0xFFFFC000  }
0x1c: {  	_ =	swait.ge [sflag:s19], $0x4000  }
0x1d: {  	[sflag:s19] =	ssyncset.done $0x0  }
0x1e: {  	[sflag:s19] =	ssyncadd.s32 $0xFFFFC000  }
0x1f: {  	_ =	swait.ge [sflag:s19], $0x4000  }
0x20: {  	[sflag:s19] =	ssyncset.done $0x0  }
0x21: {  	[sflag:s19] =	ssyncadd.s32 $0xFFFFC000  }
0x22: {  	_ =	swait.ge [sflag:s19], $0x4000  }
0x23: {  	[sflag:s19] =	ssyncset.done $0x0  }
0x24: {  	[sflag:s19] =	ssyncadd.s32 $0xFFFFC000  }
0x25: {  	_ =	swait.ge [sflag:s19], $0x4000  }
0x26: {  	[sflag:s19] =	ssyncset.done $0x0  }
0x27: {  	s22 =	smul.u32 $0x1C0000, s21;
	s21 =	ssub.s32 $0x2, s21;
	[sflag:s19] =	ssyncadd.s32 $0xFFFFC000  }
0x28: {  	s23 =	smul.u32 $0x1C000, s1;
	s31 =	sshrl.u32 s21, $0x1;
	_ =	swait.ge [sflag:s19], $0x4000  }
0x29: {  	s21 =	ssub.s32 s21, s31;
	[sflag:s19] =	ssyncset.done $0x0  }
0x2a: {  	s22 =	sadd.s32 s23, s22;
	s21 =	smax.u32 s21, $0x1;
	[sflag:s19] =	ssyncadd.s32 $0xFFFFC000  }
0x2b: {  	s22 =	sshrl.u32 s22, $0x3;
	p0 =	sne.s32 s21, $0x1;
	_ =	swait.ge [sflag:s19], $0x4000  }
.Ltmp0:
0x2c: {  	s20 =	sadd.s32 s22, s20;
	[sflag:s19] =	ssyncset.done $0x0;
	(pc) =	sbr.rel @!p0 .LBB2_2-.Ltmp0, $4  }
0x2d: {  	s20 =	sadd.s32 $0x41000, s20;
	[sflag:s19] =	ssyncadd.s32 $0xFFFFC000  }
0x2e: {  	[hbm4b:s20+s3] =	stream.linear.scatter [tilespmem:s7], [sflag:$0x2], $0x1C000, $0x38;
	[tilespmem:$0x1C400] =	vst v63  }
0x2f: {  	_ =	swait.ge [sflag:s4], $0x1C000  }
0x30: {  	s21 =	sadd.s32 $0xFFFFFFFF, s21;
	[sflag:s4] =	ssyncset.done $0x0  }
.LBB2_1:
0x31: {  	p0 =	sne.s32 s21, $0x1;
	s21 =	sadd.s32 $0xFFFFFFFF, s21;
	[sflag:s4] =	ssyncadd.s32 $0xFFFE4000  }
0x32: {  	[tilespmem:s3], [sflag:$0x2] =	stream.linear.gather [hbm4b:s5+s3], $0x380, $0x38;
	[tilespmem:$0x1C400] =	vst v63  }
0x33: {  	_ =	swait.ge [sflag:s4], $0x380  }
0x34: {  	[sflag:s4] =	ssyncset.done $0x0  }
0x35: {  	[sflag:s4] =	ssyncadd.s32 $0xFFFFFC80  }
0x36: {  	[tilespmem:s7], [sflag:$0x1] =	stream.indirect.gather [hbm4b:s2+s6], $0x80, s3, s6, $0xb8;
	[tilespmem:$0x1C400] =	vst v63  }
0x37: {  	_ = 	snop  }
0x38: {  	[tilespmem:s8], [sflag:$0x1] =	stream.indirect.gather [hbm4b:s2+s6], $0x80, s6, s6, $0xb8;
	[tilespmem:$0x1C400] =	vst v63  }
0x39: {  	_ = 	snop  }
0x3a: {  	[tilespmem:s10], [sflag:$0x1] =	stream.indirect.gather [hbm4b:s2+s6], $0x80, s9, s6, $0xb8;
	[tilespmem:$0x1C400] =	vst v63  }
0x3b: {  	_ = 	snop  }
0x3c: {  	[tilespmem:s12], [sflag:$0x1] =	stream.indirect.gather [hbm4b:s2+s6], $0x80, s11, s6, $0xb8;
	[tilespmem:$0x1C400] =	vst v63  }
0x3d: {  	_ = 	snop  }
0x3e: {  	[tilespmem:s14], [sflag:$0x1] =	stream.indirect.gather [hbm4b:s2+s6], $0x80, s13, s6, $0xb8;
	[tilespmem:$0x1C400] =	vst v63  }
0x3f: {  	_ = 	snop  }
0x40: {  	[tilespmem:s16], [sflag:$0x1] =	stream.indirect.gather [hbm4b:s2+s6], $0x80, s15, s6, $0xb8;
	[tilespmem:$0x1C400] =	vst v63  }
0x41: {  	_ = 	snop  }
0x42: {  	[tilespmem:s18], [sflag:$0x1] =	stream.indirect.gather [hbm4b:s2+s6], $0x80, s17, s6, $0xb8;
	[tilespmem:$0x1C400] =	vst v63  }
0x43: {  	_ =	swait.ge [sflag:s19], $0x4000  }
0x44: {  	[sflag:s19] =	ssyncset.done $0x0  }
0x45: {  	[sflag:s19] =	ssyncadd.s32 $0xFFFFC000  }
0x46: {  	_ =	swait.ge [sflag:s19], $0x4000  }
0x47: {  	[sflag:s19] =	ssyncset.done $0x0  }
0x48: {  	[sflag:s19] =	ssyncadd.s32 $0xFFFFC000  }
0x49: {  	_ =	swait.ge [sflag:s19], $0x4000  }
0x4a: {  	[sflag:s19] =	ssyncset.done $0x0  }
0x4b: {  	[sflag:s19] =	ssyncadd.s32 $0xFFFFC000  }
0x4c: {  	_ =	swait.ge [sflag:s19], $0x4000  }
0x4d: {  	[sflag:s19] =	ssyncset.done $0x0  }
0x4e: {  	[sflag:s19] =	ssyncadd.s32 $0xFFFFC000  }
0x4f: {  	_ =	swait.ge [sflag:s19], $0x4000  }
0x50: {  	[sflag:s19] =	ssyncset.done $0x0  }
0x51: {  	[sflag:s19] =	ssyncadd.s32 $0xFFFFC000  }
0x52: {  	_ =	swait.ge [sflag:s19], $0x4000  }
0x53: {  	[sflag:s19] =	ssyncset.done $0x0  }
0x54: {  	[sflag:s19] =	ssyncadd.s32 $0xFFFFC000  }
0x55: {  	_ =	swait.ge [sflag:s19], $0x4000  }
.Ltmp1:
0x56: {  	[sflag:s19] =	ssyncset.done $0x0;
	(pc) =	sbr.rel @p0 .LBB2_1-.Ltmp1, $4  }
0x57: {  	[sflag:s19] =	ssyncadd.s32 $0xFFFFC000  }
0x58: {  	[hbm4b:s20+s3] =	stream.linear.scatter [tilespmem:s7], [sflag:$0x2], $0x1C000, $0x38;
	[tilespmem:$0x1C400] =	vst v63  }
0x59: {  	_ =	swait.ge [sflag:s4], $0x1C000  }
0x5a: {  	[sflag:s4] =	ssyncset.done $0x0  }
.LBB2_2:
0x5b: {  	[sflag:s4] =	ssyncadd.s32 $0xFFFE4000  }
0x5c: {  	_ =	sfence.sel $0x180000  }
0x5d: {  	[bflag:$0x0] =	sbarrier.arrive $0xFFFF  }
0x5e: {  	p0 =	sne.s32 s1, $0x0;
	_ =	strace $0x9000004D  }
0x5f: {  	s0 =	sadd.s32 @!p0 $0x100000, s0;
	[bflag:$0x2] =	sbarrier.arrive $0xFFFF  }
0x60: {  	[sflag:s0] =	ssyncadd.tile.s32 @!p0 $0x1;
	_ =	shalt  }
.Lfunc_end2:
_tile_overlayer_lowered:
.L_overlay_start_2:
0x61: {  	(tag) =	ssettag $0x2  }
0x62: {  	s0 =	rddreg [dreg:$0x0];
	s2 =	stileid.u32  }
0x63: {  	s1 =	rddreg [dreg:$0x1];
	p0 =	sne.s32 s2, $0x0  }
0x64: {  	s3 =	rddreg [dreg:$0x2];
	[bflag:$0x3] =	sbarrier.arrive $0xFFFF;
	s2 =	simm.s32 @!p0 $0x1C02  }
0x65: {  	[timem:s3], [sflag:s2] =	dma.local @!p0 [hbm:s0], s1  }
0x66: {  	s0 =	simm.s32 @!p0 $0x2  }
0x67: {  	_ =	swait.ge @!p0 [sflag:s0], s1  }
0x68: {  	s1 =	ssub.s32 @!p0 $0x0, s1;
	[sflag:s0] =	ssyncset.done @!p0 $0x0  }
0x69: {  	[sflag:s0] =	ssyncadd.s32 @!p0 s1  }
0x6a: {  	[bflag:$0x3] =	sbarrier.arrive $0xFFFF  }
0x6b: {  	_ =	shalt  }

// kernel: kernel.9.cloned.1.call-start
scs
__scs_entry_jumppad:
0x0: {  	(pc) =	sbr.rel $0x88, $3  }
0x1: {  	(tag) =	ssettag $0x0;
	lr =	simm.s32 $0x1  }
0x2: {  	[smem:$0x3F49] =	sst lr;
	_ =	strace $0xD0000000  }
0x3: {  	_ = 	snop  }
0x4: {  	_ = 	snop  }
0x5: {  	_ = 	snop  }
0x6: {  	_ = 	snop  }
0x7: {  	_ = 	snop  }
__scs_overlays_trampoline_lowered:
0x8: {  	[smem:$0x3F58] =	sst s0  }
0x9: {  	[smem:$0x3F59] =	sst s1  }
0xa: {  	[smem:$0x3F5A] =	sst s2  }
0xb: {  	[smem:$0x3F5B] =	sst s3  }
0xc: {  	[smem:$0x3F5C] =	sst s4  }
0xd: {  	[smem:$0x3F5D] =	sst s5  }
0xe: {  	[smem:$0x3F5E] =	sst s6  }
0xf: {  	[smem:$0x3F5F] =	sst s7  }
0x10: {  	[smem:$0x3F60] =	sst s8  }
0x11: {  	[smem:$0x3F61] =	sst s9;
	s0 =	simm.s32 @!p0 $0x0  }
0x12: {  	s1 =	sld [smem:$0x3F47];
	s0 =	simm.s32 @p0 $0x1  }
0x13: {  	[smem:$0x3F62] =	sst s0;
	s0 =	simm.s32 @!p1 $0x0  }
0x14: {  	s2 =	sld [smem:$0x3F46];
	s0 =	simm.s32 @p1 $0x1  }
0x15: {  	[smem:$0x3F63] =	sst s0;
	s0 =	simm.s32 @!p2 $0x0  }
0x16: {  	s3 =	sld [smem:$0x3FDB];
	s0 =	simm.s32 @p2 $0x1  }
0x17: {  	s4 =	simm.s32 $0x1BF5;
	[smem:$0x3F65] =	sst s0  }
0x18: {  	s0 =	sld [smem:$0x3F48];
	_ =	swait.ge [sflag:s4], $0x0  }
0x19: {  	s7 =	sld [smem:$0x3F49]  }
0x1a: {  	s8 =	sadd.s32 $0xFFFFE003, lr  }
0x1b: {  	s9 =	sadd.s32 $0xFFFFFEF7, lr;
	s5 =	simm.s32 $0xFFFFFFFF;
	p2 =	slt.u32 s8, $0xFFFFF086  }
0x1c: {  	p1 =	slt.u32 s9, $0xF7A;
	s5 =	simm.s32 @!p2 $0x0  }
0x1d: {  	s5 =	simm.s32 @p1 $0x1;
	p0 =	seq.s32 s7, s2  }
0x1e: {  	s7 =	smul.u32 @!p0 $0xF7A, s2;
	p2 =	seq.s32 @!p0 s5, $0x0  }
0x1f: {  	s9 =	smul.u32 $0xF7A, s1;
	s8 =	simm.s32 @!p0 $0x1BF5;
	p2 =	por !p2, p0  }
0x20: {  	[sflag:s8] =	ssyncset.s32 @!p0 $0xFFFFF086;
	s6 =	sadd.s32 @!p0 s3, s7;
	s7 =	simm.s32 @!p0 $0x108  }
0x21: {  	s3 =	sadd.s32 s3, s9;
	s6 =	sadd.s32 @!p0 $0x88, s6;
	s7 =	simm.s32 @p2 $0x1082  }
0x22: {  	[simem:s7], [sflag:s8] =	dma.local @!p0 [hbm:s6], $0xF7A  }
0x23: {  	s9 =	sor.u32 $0xD0000000, s2;
	s6 =	simm.s32 $0x108;
	_ =	swait.ge @!p0 [sflag:s8], $0x0  }
0x24: {  	s3 =	sadd.s32 $0x88, s3;
	s6 =	simm.s32 @!p1 $0x1082;
	[sflag:s4] =	ssyncset.s32 $0xFFFFF086  }
0x25: {  	[simem:s6], [sflag:s4] =	dma.local [hbm:s3], $0xF7A  }
0x26: {  	[smem:$0x3F49] =	sst s1;
	(tag) =	ssettag s2;
	_ =	strace s9  }
0x27: {  	s1 =	sld [smem:$0x3F59]  }
0x28: {  	s2 =	sld [smem:$0x3F5A]  }
0x29: {  	s4 =	sld [smem:$0x3F5C]  }
0x2a: {  	p0 =	seq.s32 s5, $0x0;
	s5 =	sld [smem:$0x3F5D]  }
0x2b: {  	s6 =	sld [smem:$0x3F5E]  }
0x2c: {  	s7 =	sld [smem:$0x3F5F]  }
0x2d: {  	s3 =	simm.s32 $0x108;
	s8 =	sld [smem:$0x3F60]  }
0x2e: {  	s3 =	simm.s32 @!p0 $0x1082;
	s9 =	sld [smem:$0x3F61]  }
0x2f: {  	lr =	sadd.s32 s0, s3;
	s0 =	sld [smem:$0x3F58]  }
0x30: {  	s3 =	sld [smem:$0x3F5B]  }
0x31: {  	[smem:$0x3F64] =	sst s10  }
0x32: {  	s10 =	sld [smem:$0x3F62];
	_ =	sdelay $0x3  }
0x33: {  	p0 =	seq.s32 s10, $0x1;
	s10 =	sld [smem:$0x3F64];
	_ =	sdelay $0x3  }
0x34: {  	[smem:$0x3F64] =	sst s10  }
0x35: {  	s10 =	sld [smem:$0x3F63];
	_ =	sdelay $0x3  }
0x36: {  	p1 =	seq.s32 s10, $0x1;
	s10 =	sld [smem:$0x3F64];
	_ =	sdelay $0x3  }
0x37: {  	[smem:$0x3F64] =	sst s10  }
0x38: {  	s10 =	sld [smem:$0x3F65]  }
0x39: {  	_ = 	snop;
	(pc) =	sbr.ind lr, $3  }
0x3a: {  	_ = 	snop  }
0x3b: {  	_ = 	snop  }
0x3c: {  	p2 =	seq.s32 s10, $0x1;
	s10 =	sld [smem:$0x3F64]  }
0x3d: {  	_ =	shalt  }
0x3e: {  	_ =	shalt  }
0x3f: {  	_ =	shalt  }
0x40: {  	_ =	shalt  }
0x41: {  	_ =	shalt  }
0x42: {  	_ =	shalt  }
0x43: {  	_ =	shalt  }
0x44: {  	_ =	shalt  }
0x45: {  	_ =	shalt  }
0x46: {  	_ =	shalt  }
0x47: {  	_ =	shalt  }
0x48: {  	_ =	shalt  }
0x49: {  	_ =	shalt  }
0x4a: {  	_ =	shalt  }
0x4b: {  	_ =	shalt  }
0x4c: {  	_ =	shalt  }
0x4d: {  	_ =	shalt  }
0x4e: {  	_ =	shalt  }
0x4f: {  	_ =	shalt  }
0x50: {  	_ =	shalt  }
0x51: {  	_ =	shalt  }
0x52: {  	_ =	shalt  }
0x53: {  	_ =	shalt  }
0x54: {  	_ =	shalt  }
0x55: {  	_ =	shalt  }
0x56: {  	_ =	shalt  }
0x57: {  	_ =	shalt  }
0x58: {  	_ =	shalt  }
0x59: {  	_ =	shalt  }
0x5a: {  	_ =	shalt  }
0x5b: {  	_ =	shalt  }
0x5c: {  	_ =	shalt  }
0x5d: {  	_ =	shalt  }
0x5e: {  	_ =	shalt  }
0x5f: {  	_ =	shalt  }
0x60: {  	_ =	shalt  }
0x61: {  	_ =	shalt  }
0x62: {  	_ =	shalt  }
0x63: {  	_ =	shalt  }
0x64: {  	_ =	shalt  }
0x65: {  	_ =	shalt  }
0x66: {  	_ =	shalt  }
0x67: {  	_ =	shalt  }
0x68: {  	_ =	shalt  }
0x69: {  	_ =	shalt  }
0x6a: {  	_ =	shalt  }
0x6b: {  	_ =	shalt  }
0x6c: {  	_ =	shalt  }
0x6d: {  	_ =	shalt  }
0x6e: {  	_ =	shalt  }
0x6f: {  	_ =	shalt  }
0x70: {  	_ =	shalt  }
0x71: {  	_ =	shalt  }
0x72: {  	_ =	shalt  }
0x73: {  	_ =	shalt  }
0x74: {  	_ =	shalt  }
0x75: {  	_ =	shalt  }
0x76: {  	_ =	shalt  }
0x77: {  	_ =	shalt  }
0x78: {  	_ =	shalt  }
0x79: {  	_ =	shalt  }
0x7a: {  	_ =	shalt  }
0x7b: {  	_ =	shalt  }
0x7c: {  	_ =	shalt  }
0x7d: {  	_ =	shalt  }
0x7e: {  	_ =	shalt  }
0x7f: {  	_ =	shalt  }
0x80: {  	_ =	shalt  }
0x81: {  	_ =	shalt  }
0x82: {  	_ =	shalt  }
0x83: {  	_ =	shalt  }
0x84: {  	_ =	shalt  }
0x85: {  	_ =	shalt  }
0x86: {  	_ =	shalt  }
0x87: {  	_ =	shalt  }
.Lfunc_end0:
.L_simem_size_0:
called_computation_lowered:
.L_overlay_start_0:
0x88: {  	s2 =	sld [smem:$0x3FD9]  }
0x89: {  	s3 =	sld [smem:$0x3FFE];
	_ =	sdelay $0x1  }
0x8a: {  	s1 =	srdreg.scid  }
0x8b: {  	s0 =	sand.u32 $0x1, s1  }
0x8c: {  	s17 =	sshll.u32 s0, $0xA;
	s2 =	sadd.s32 s3, s2  }
0x8d: {  	s2 =	sadd.s32 s2, s17  }
0x8e: {  	[smem:$0x3F70] =	sst s2  }
0x8f: {  	_ = 	snop  }
0x90: {  	s2 =	sld [smem:$0x3FD0];
	(tm) =	ssettm $0x1  }
0x91: {  	s18 =	sld [smem:$0x3FFB];
	_ =	sdelay $0x3  }
0x92: {  	_ =	strace s18  }
0x93: {  	s3 =	sld [smem:$0x3FFC];
	_ =	sdelay $0x3  }
0x94: {  	_ =	strace s3  }
0x95: {  	s3 =	sld [smem:$0x3FFD];
	_ =	sdelay $0x3  }
0x96: {  	_ =	strace s3  }
0x97: {  	_ =	strace $0x8FFFFFFF  }
0x98: {  	s19 =	sld [smem:$0x3FDB];
	_ =	sdelay $0x1  }
0x99: {  	s4 =	simm.s32 $_scs_section_size  }
0x9a: {  	s5 =	simm.s32 $_size__tile_overlayer_lowered;
	s6 =	simm.s32 $_tile_overlayer_lowered  }
0x9b: {  	s22 =	simm.s32 $0x1BFF;
	s21 =	sshll.u32 s6, $0x1;
	s3 =	sadd.s32 s4, s19  }
0x9c: {  	s7 =	simm.s32 $0x0;
	s20 =	sshll.u32 s5, $0x1;
	s5 =	sadd.s32 s21, s3  }
0x9d: {  	[timem:s7], [sflag:s22] =	dma.local [hbm:s5], s20  }
0x9e: {  	_ =	swait.ge [sflag:s22], s20  }
0x9f: {  	s4 =	ssub.s32 $0x0, s20;
	[sflag:s22] =	ssyncset.done $0x0  }
0xa0: {  	[sflag:s22] =	ssyncadd.s32 s4;
	_ =	sdelay $0x1  }
0xa1: {  	s23 =	simm.s32 $0x1B8B  }
0xa2: {  	_ =	swait.ge [sflag:s23], $0x1  }
0xa3: {  	[sflag:s23] =	ssyncset.done $0x0  }
0xa4: {  	s25 =	simm.s32 $0x1B8E;
	s24 =	sld [smem:$0x3FFE];
	[sflag:s23] =	ssyncadd.s32 $0xFFFFFFFF  }
0xa5: {  	s26 =	simm.s32 $execute0_lowered;
	[smem:$0x3FD2] =	sst s25  }
0xa6: {  	s5 =	sshll.u32 s26, $0x1;
	_ =	strace $0x80000046;
	[dreg:$0x1] =	wrdreg $0xFFFFFFFF  }
0xa7: {  	s28 =	simm.s32 $_size_execute0_lowered;
	s3 =	sadd.s32 s3, s5;
	[dreg:$0x0] =	wrdreg $0x0  }
0xa8: {  	s5 =	sshll.u32 s28, $0x1;
	[dreg:$0x2] =	wrdreg s3  }
0xa9: {  	[dreg:$0x3] =	wrdreg s5  }
0xaa: {  	[dreg:$0x4] =	wrdreg $0xC0  }
0xab: {  	_ =	task [dreg:s7], $0x5FFFF  }
0xac: {  	[dreg:$0x1] =	wrdreg $0xFFFFFFFF  }
0xad: {  	[dreg:$0x0] =	wrdreg $0x60  }
0xae: {  	[dreg:$0x2] =	wrdreg s2  }
0xaf: {  	[dreg:$0x3] =	wrdreg s24  }
0xb0: {  	[dreg:$0x4] =	wrdreg $0x9  }
0xb1: {  	_ =	task.clear_ibuf [dreg:s7], $0x5FFFF;
	_ =	strace $0x90000046  }
0xb2: {  	s29 =	simm.s32 $0x9;
	_ =	strace $0x80000048  }
0xb3: {  	_ =	swait.ge [sflag:s29], $0x1  }
0xb4: {  	[sflag:s29] =	ssyncadd.s32 $0xFFFFFFFF  }
0xb5: {  	_ =	strace $0x90000048  }
0xb6: {  	_ =	sfence  }
0xb7: {  	s30 =	sld [smem:$0x0];
	_ =	sdelay $0x2  }
0xb8: {  	s31 =	sshll.u32 s1, $0xD;
	s1 =	sshrl.u32 s1, $0x2  }
0xb9: {  	s3 =	sand.u32 $0x4000, s31;
	s1 =	sadd.s32 s1, s30  }
0xba: {  	s0 =	sor.u32 s3, s0;
	s1 =	sshll.u32 s1, $0x11  }
0xbb: {  	s0 =	sor.u32 s1, s0  }
0xbc: {  	s0 =	sadd.s32 $0x8F2B, s0  }
0xbd: {  	[sflag:s0] =	ssyncadd.remote.s32 $0x1  }
0xbe: {  	_ =	sfence.sel $0xFFFF  }
0xbf: {  	[dreg:$0x0] =	wrdreg $0xFFFFFFFF;
	(pc) =	sbr.abs _section_cstart, $3  }
0xc0: {  	[dreg:$0x1] =	wrdreg $0xFFFFFFFF  }
0xc1: {  	_ =	task.clear_ibuf [dreg:s7], $0x2FFFF;
	_ =	strace $0x9FFFFFFF  }
0xc2: {  	(tm) =	ssettm $0x7FFFFFFF  }
0xc3: {  	_ =	shalt  }
tec
execute0_lowered:
.L_overlay_start_1:
0x0: {  	(tag) =	ssettag $0x1  }
0x1: {  	s2 =	rddreg [dreg:$0x0]  }
0x2: {  	s20 =	rddreg [dreg:$0x1]  }
0x3: {  	s1 =	stileid.u32;
	s3 =	srdreg.scid  }
0x4: {  	s0 =	rddreg [dreg:$0x2];
	s4 =	sshll.u32 s1, $0x7;
	s21 =	sand.u32 $0x1, s3  }
0x5: {  	s3 =	simm.s32 $0x0;
	s4 =	sadd.s32 s4, s20;
	s5 =	sshll.u32 s21, $0xB  }
0x6: {  	[smem:$0x7FF] =	sst s3;
	s4 =	sadd.s32 s5, s4  }
0x7: {  	_ =	strace $0x80000047;
	s5 =	sadd.s32 $0xF000, s4;
	s4 =	simm.s32 $0x2  }
0x8: {  	[tilespmem:s3], [sflag:$0x2] =	stream.linear.gather [hbm4b:s5+s3], $0x380, $0x38;
	[tilespmem:$0x1C400] =	vst v63  }
0x9: {  	_ =	swait.ge [sflag:s4], $0x380  }
0xa: {  	[sflag:s4] =	ssyncset.done $0x0  }
0xb: {  	s6 =	simm.s32 $0x80;
	s7 =	simm.s32 $0x400;
	[sflag:s4] =	ssyncadd.s32 $0xFFFFFC80  }
0xc: {  	[tilespmem:s7], [sflag:$0x1] =	stream.indirect.gather [hbm4b:s2+s6], $0x80, s3, s6, $0xb8;
	[tilespmem:$0x1C400] =	vst v63  }
0xd: {  	s8 =	simm.s32 $0x4400  }
0xe: {  	[tilespmem:s8], [sflag:$0x1] =	stream.indirect.gather [hbm4b:s2+s6], $0x80, s6, s6, $0xb8;
	[tilespmem:$0x1C400] =	vst v63  }
0xf: {  	s9 =	simm.s32 $0x100;
	s10 =	simm.s32 $0x8400  }
0x10: {  	[tilespmem:s10], [sflag:$0x1] =	stream.indirect.gather [hbm4b:s2+s6], $0x80, s9, s6, $0xb8;
	[tilespmem:$0x1C400] =	vst v63  }
0x11: {  	s11 =	simm.s32 $0x180;
	s12 =	simm.s32 $0xC400  }
0x12: {  	[tilespmem:s12], [sflag:$0x1] =	stream.indirect.gather [hbm4b:s2+s6], $0x80, s11, s6, $0xb8;
	[tilespmem:$0x1C400] =	vst v63  }
0x13: {  	s13 =	simm.s32 $0x200;
	s14 =	simm.s32 $0x10400  }
0x14: {  	[tilespmem:s14], [sflag:$0x1] =	stream.indirect.gather [hbm4b:s2+s6], $0x80, s13, s6, $0xb8;
	[tilespmem:$0x1C400] =	vst v63  }
0x15: {  	s15 =	simm.s32 $0x280;
	s16 =	simm.s32 $0x14400  }
0x16: {  	[tilespmem:s16], [sflag:$0x1] =	stream.indirect.gather [hbm4b:s2+s6], $0x80, s15, s6, $0xb8;
	[tilespmem:$0x1C400] =	vst v63  }
0x17: {  	s17 =	simm.s32 $0x300;
	s18 =	simm.s32 $0x18400;
	s19 =	simm.s32 $0x1  }
0x18: {  	[tilespmem:s18], [sflag:$0x1] =	stream.indirect.gather [hbm4b:s2+s6], $0x80, s17, s6, $0xb8;
	[tilespmem:$0x1C400] =	vst v63  }
0x19: {  	_ =	swait.ge [sflag:s19], $0x4000  }
0x1a: {  	[sflag:s19] =	ssyncset.done $0x0  }
0x1b: {  	[sflag:s19] =	ssyncadd.s32 $0xFFFFC000  }
0x1c: {  	_ =	swait.ge [sflag:s19], $0x4000  }
0x1d: {  	[sflag:s19] =	ssyncset.done $0x0  }
0x1e: {  	[sflag:s19] =	ssyncadd.s32 $0xFFFFC000  }
0x1f: {  	_ =	swait.ge [sflag:s19], $0x4000  }
0x20: {  	[sflag:s19] =	ssyncset.done $0x0  }
0x21: {  	[sflag:s19] =	ssyncadd.s32 $0xFFFFC000  }
0x22: {  	_ =	swait.ge [sflag:s19], $0x4000  }
0x23: {  	[sflag:s19] =	ssyncset.done $0x0  }
0x24: {  	[sflag:s19] =	ssyncadd.s32 $0xFFFFC000  }
0x25: {  	_ =	swait.ge [sflag:s19], $0x4000  }
0x26: {  	[sflag:s19] =	ssyncset.done $0x0  }
0x27: {  	s22 =	smul.u32 $0x1C0000, s21;
	s21 =	ssub.s32 $0x2, s21;
	[sflag:s19] =	ssyncadd.s32 $0xFFFFC000  }
0x28: {  	s23 =	smul.u32 $0x1C000, s1;
	s31 =	sshrl.u32 s21, $0x1;
	_ =	swait.ge [sflag:s19], $0x4000  }
0x29: {  	s21 =	ssub.s32 s21, s31;
	[sflag:s19] =	ssyncset.done $0x0  }
0x2a: {  	s22 =	sadd.s32 s23, s22;
	s21 =	smax.u32 s21, $0x1;
	[sflag:s19] =	ssyncadd.s32 $0xFFFFC000  }
0x2b: {  	s22 =	sshrl.u32 s22, $0x3;
	p0 =	sne.s32 s21, $0x1;
	_ =	swait.ge [sflag:s19], $0x4000  }
.Ltmp0:
0x2c: {  	s20 =	sadd.s32 s22, s20;
	[sflag:s19] =	ssyncset.done $0x0;
	(pc) =	sbr.rel @!p0 .LBB2_2-.Ltmp0, $4  }
0x2d: {  	s20 =	sadd.s32 $0x10000, s20;
	[sflag:s19] =	ssyncadd.s32 $0xFFFFC000  }
0x2e: {  	[hbm4b:s20+s3] =	stream.linear.scatter [tilespmem:s7], [sflag:$0x2], $0x1C000, $0x38;
	[tilespmem:$0x1C400] =	vst v63  }
0x2f: {  	_ =	swait.ge [sflag:s4], $0x1C000  }
0x30: {  	s21 =	sadd.s32 $0xFFFFFFFF, s21;
	[sflag:s4] =	ssyncset.done $0x0  }
.LBB2_1:
0x31: {  	p0 =	sne.s32 s21, $0x1;
	s21 =	sadd.s32 $0xFFFFFFFF, s21;
	[sflag:s4] =	ssyncadd.s32 $0xFFFE4000  }
0x32: {  	[tilespmem:s3], [sflag:$0x2] =	stream.linear.gather [hbm4b:s5+s3], $0x380, $0x38;
	[tilespmem:$0x1C400] =	vst v63  }
0x33: {  	_ =	swait.ge [sflag:s4], $0x380  }
0x34: {  	[sflag:s4] =	ssyncset.done $0x0  }
0x35: {  	[sflag:s4] =	ssyncadd.s32 $0xFFFFFC80  }
0x36: {  	[tilespmem:s7], [sflag:$0x1] =	stream.indirect.gather [hbm4b:s2+s6], $0x80, s3, s6, $0xb8;
	[tilespmem:$0x1C400] =	vst v63  }
0x37: {  	_ = 	snop  }
0x38: {  	[tilespmem:s8], [sflag:$0x1] =	stream.indirect.gather [hbm4b:s2+s6], $0x80, s6, s6, $0xb8;
	[tilespmem:$0x1C400] =	vst v63  }
0x39: {  	_ = 	snop  }
0x3a: {  	[tilespmem:s10], [sflag:$0x1] =	stream.indirect.gather [hbm4b:s2+s6], $0x80, s9, s6, $0xb8;
	[tilespmem:$0x1C400] =	vst v63  }
0x3b: {  	_ = 	snop  }
0x3c: {  	[tilespmem:s12], [sflag:$0x1] =	stream.indirect.gather [hbm4b:s2+s6], $0x80, s11, s6, $0xb8;
	[tilespmem:$0x1C400] =	vst v63  }
0x3d: {  	_ = 	snop  }
0x3e: {  	[tilespmem:s14], [sflag:$0x1] =	stream.indirect.gather [hbm4b:s2+s6], $0x80, s13, s6, $0xb8;
	[tilespmem:$0x1C400] =	vst v63  }
0x3f: {  	_ = 	snop  }
0x40: {  	[tilespmem:s16], [sflag:$0x1] =	stream.indirect.gather [hbm4b:s2+s6], $0x80, s15, s6, $0xb8;
	[tilespmem:$0x1C400] =	vst v63  }
0x41: {  	_ = 	snop  }
0x42: {  	[tilespmem:s18], [sflag:$0x1] =	stream.indirect.gather [hbm4b:s2+s6], $0x80, s17, s6, $0xb8;
	[tilespmem:$0x1C400] =	vst v63  }
0x43: {  	_ =	swait.ge [sflag:s19], $0x4000  }
0x44: {  	[sflag:s19] =	ssyncset.done $0x0  }
0x45: {  	[sflag:s19] =	ssyncadd.s32 $0xFFFFC000  }
0x46: {  	_ =	swait.ge [sflag:s19], $0x4000  }
0x47: {  	[sflag:s19] =	ssyncset.done $0x0  }
0x48: {  	[sflag:s19] =	ssyncadd.s32 $0xFFFFC000  }
0x49: {  	_ =	swait.ge [sflag:s19], $0x4000  }
0x4a: {  	[sflag:s19] =	ssyncset.done $0x0  }
0x4b: {  	[sflag:s19] =	ssyncadd.s32 $0xFFFFC000  }
0x4c: {  	_ =	swait.ge [sflag:s19], $0x4000  }
0x4d: {  	[sflag:s19] =	ssyncset.done $0x0  }
0x4e: {  	[sflag:s19] =	ssyncadd.s32 $0xFFFFC000  }
0x4f: {  	_ =	swait.ge [sflag:s19], $0x4000  }
0x50: {  	[sflag:s19] =	ssyncset.done $0x0  }
0x51: {  	[sflag:s19] =	ssyncadd.s32 $0xFFFFC000  }
0x52: {  	_ =	swait.ge [sflag:s19], $0x4000  }
0x53: {  	[sflag:s19] =	ssyncset.done $0x0  }
0x54: {  	[sflag:s19] =	ssyncadd.s32 $0xFFFFC000  }
0x55: {  	_ =	swait.ge [sflag:s19], $0x4000  }
.Ltmp1:
0x56: {  	[sflag:s19] =	ssyncset.done $0x0;
	(pc) =	sbr.rel @p0 .LBB2_1-.Ltmp1, $4  }
0x57: {  	[sflag:s19] =	ssyncadd.s32 $0xFFFFC000  }
0x58: {  	[hbm4b:s20+s3] =	stream.linear.scatter [tilespmem:s7], [sflag:$0x2], $0x1C000, $0x38;
	[tilespmem:$0x1C400] =	vst v63  }
0x59: {  	_ =	swait.ge [sflag:s4], $0x1C000  }
0x5a: {  	[sflag:s4] =	ssyncset.done $0x0  }
.LBB2_2:
0x5b: {  	[sflag:s4] =	ssyncadd.s32 $0xFFFE4000  }
0x5c: {  	_ =	sfence.sel $0x180000  }
0x5d: {  	[bflag:$0x0] =	sbarrier.arrive $0xFFFF  }
0x5e: {  	p0 =	sne.s32 s1, $0x0;
	_ =	strace $0x90000047  }
0x5f: {  	s0 =	sadd.s32 @!p0 $0x100000, s0;
	[bflag:$0x2] =	sbarrier.arrive $0xFFFF  }
0x60: {  	[sflag:s0] =	ssyncadd.tile.s32 @!p0 $0x1;
	_ =	shalt  }
.Lfunc_end2:
_tile_overlayer_lowered:
.L_overlay_start_2:
0x61: {  	(tag) =	ssettag $0x2  }
0x62: {  	s0 =	rddreg [dreg:$0x0];
	s2 =	stileid.u32  }
0x63: {  	s1 =	rddreg [dreg:$0x1];
	p0 =	sne.s32 s2, $0x0  }
0x64: {  	s3 =	rddreg [dreg:$0x2];
	[bflag:$0x3] =	sbarrier.arrive $0xFFFF;
	s2 =	simm.s32 @!p0 $0x1C02  }
0x65: {  	[timem:s3], [sflag:s2] =	dma.local @!p0 [hbm:s0], s1  }
0x66: {  	s0 =	simm.s32 @!p0 $0x2  }
0x67: {  	_ =	swait.ge @!p0 [sflag:s0], s1  }
0x68: {  	s1 =	ssub.s32 @!p0 $0x0, s1;
	[sflag:s0] =	ssyncset.done @!p0 $0x0  }
0x69: {  	[sflag:s0] =	ssyncadd.s32 @!p0 s1  }
0x6a: {  	[bflag:$0x3] =	sbarrier.arrive $0xFFFF  }
0x6b: {  	_ =	shalt  }

</sc_bundles>
